<compile_context>
chip_gen: v7x
topology: tpu7x:2x2x1
jax: 0.10.2.dev20260603
libtpu: 0.0.44.dev20260713+nightly
codegen_flags: <defaults>
</compile_context>

<pallas_src>
import functools

import jax
import jax.numpy as jnp
from jax import lax
from jax.experimental import pallas as pl
from jax.experimental.pallas import tpu as pltpu
from jax.experimental.pallas import tpu_sc as plsc

_MODE = 0.02
_THRESHOLD = 0.1

_K = 4096
_N = 4096

_KSC = 1536
_KTC = _K - _KSC
_BK = 512

_NC, _NS = 2, 16
_NW = _NC * _NS
_RPW = _KSC // _NW
_SC_BK = 8
_G = 8


def _tc_body(x_ref, w_ref, b_ref, o_ref):
    i = pl.program_id(0)
    xm = x_ref[...] - _MODE
    v = jnp.where(jnp.abs(xm) > _THRESHOLD, xm, 0.0) + _MODE
    partial = jnp.sum(w_ref[...] * v, axis=0, keepdims=True)

    @pl.when(i == 0)
    def _():
        o_ref[...] = b_ref[...] + partial

    @pl.when(i > 0)
    def _():
        o_ref[...] += partial


def _tc_matvec(x_col, w, b2):
    return pl.pallas_call(
        _tc_body,
        grid=(_KTC // _BK,),
        in_specs=[
            pl.BlockSpec((_BK, 1), lambda i: (i, 0)),
            pl.BlockSpec((_BK, _N), lambda i: (i, 0)),
            pl.BlockSpec((1, _N), lambda i: (0, 0)),
        ],
        out_specs=pl.BlockSpec((1, _N), lambda i: (0, 0)),
        out_shape=jax.ShapeDtypeStruct((1, _N), jnp.float32),
    )(x_col, w, b2)


def _sc_accum_block(acc, wbuf, vv, lane0):

    @pl.loop(0, _N, step=16 * _G)
    def _(cg):
        accs = [acc[pl.ds(cg + 16 * g, 16)] for g in range(_G)]
        for r in range(_SC_BK):
            for g in range(_G):
                accs[g] = accs[g] + vv[lane0 + r] * wbuf[r, pl.ds(cg + 16 * g, 16)]
        for g in range(_G):
            acc[pl.ds(cg + 16 * g, 16)] = accs[g]


def _sc_body(w_hbm, x_hbm, o_hbm, buf_a, buf_b, vbuf, acc, sem_a, sem_b):
    wid = lax.axis_index("s") * _NC + lax.axis_index("c")
    base = _KTC + wid * _RPW

    pltpu.sync_copy(x_hbm.at[pl.ds(base, _RPW)], vbuf)

    @pl.loop(0, _RPW, step=16)
    def _(i):
        xv = vbuf[pl.ds(i, 16)]
        xm = xv - _MODE
        vbuf[pl.ds(i, 16)] = jnp.where(jnp.abs(xm) > _THRESHOLD, xm, 0.0) + _MODE

    @pl.loop(0, _N, step=16)
    def _(j):
        acc[pl.ds(j, 16)] = jnp.zeros((16,), jnp.float32)

    pltpu.async_copy(w_hbm.at[pl.ds(base, _SC_BK)], buf_a, sem_a)

    @pl.loop(0, _RPW, step=2 * _SC_BK)
    def _(p):
        vv = vbuf[pl.ds(p, 16)]
        pltpu.async_copy(w_hbm.at[pl.ds(base + p + _SC_BK, _SC_BK)], buf_b, sem_b)
        pltpu.make_async_copy(w_hbm.at[pl.ds(base, _SC_BK)], buf_a, sem_a).wait()
        _sc_accum_block(acc, buf_a, vv, 0)

        @pl.when(p + 2 * _SC_BK < _RPW)
        def _():
            pltpu.async_copy(
                w_hbm.at[pl.ds(base + p + 2 * _SC_BK, _SC_BK)], buf_a, sem_a
            )

        pltpu.make_async_copy(w_hbm.at[pl.ds(base, _SC_BK)], buf_b, sem_b).wait()
        _sc_accum_block(acc, buf_b, vv, _SC_BK)

    pltpu.sync_copy(acc, o_hbm.at[wid])


def _sc_partials(w, xf):
    mesh = plsc.VectorSubcoreMesh(core_axis_name="c", subcore_axis_name="s")
    f = pl.kernel(
        _sc_body,
        mesh=mesh,
        out_type=jax.ShapeDtypeStruct((_NW, _N), jnp.float32),
        scratch_types=[
            pltpu.VMEM((_SC_BK, _N), jnp.float32),
            pltpu.VMEM((_SC_BK, _N), jnp.float32),
            pltpu.VMEM((_RPW,), jnp.float32),
            pltpu.VMEM((_N,), jnp.float32),
            pltpu.SemaphoreType.DMA,
            pltpu.SemaphoreType.DMA,
        ],
    )
    return f(w, xf)


def kernel(x, weight_t, bias):
    xf = x.reshape(_K)
    x_col = x.reshape(_K, 1)
    b2 = bias.reshape(1, _N)
    parts = _sc_partials(weight_t, xf)
    y_tc = _tc_matvec(x_col, weight_t, b2)
    return y_tc + jnp.sum(parts, axis=0, keepdims=True)

# --- scband reference (transcript-rebuilt; emitter-appended) ---
"""Pipeline reference for scband-scaplinear-real-sparse-79611513799417 (READ-ONLY COPY).

The authoritative reference and input builder live on the scoring server;
editing this copy changes nothing except your own understanding.
"""

import jax, jax.numpy as jnp
import numpy as np

IN_FEATURES = 4096
OUT_FEATURES = 4096
MODE = 0.02
THRESHOLD = 0.1


def setup_inputs(seed: int = 0) -> dict:
    key = jax.random.key(seed)
    k1, k2, k3 = jax.random.split(key, 3)
    # forward arg: single decode token -> leading-dim product == 1 triggers sparse path
    x = jax.random.normal(k1, (1, IN_FEATURES), dtype=jnp.float32)
    # learned params (from wrapped nn.Linear): weight_t = linear.weight.t() -> [in, out]
    weight_t = jax.random.normal(k2, (IN_FEATURES, OUT_FEATURES), dtype=jnp.float32) * 0.02
    bias = jax.random.normal(k3, (OUT_FEATURES,), dtype=jnp.float32) * 0.02
    return {"x": x, "weight_t": weight_t, "bias": bias}


def reference(x, weight_t, bias):
    # Since abs(MODE) >= 1e-7, the module takes decode_forward_demode_with_bias:
    # decode_bias = bias + F.linear(ones * mode, W) = bias + mode * sum_i W[:, i]
    # (with weight_t = W.T, that is mode * weight_t.sum(axis=0))
    decode_bias = bias + MODE * jnp.sum(weight_t, axis=0)
    xm = x - MODE
    # threshold masking: scap_fc only multiplies activations whose |value| > threshold
    mask = (jnp.abs(xm) > THRESHOLD).astype(xm.dtype)
    y = jnp.matmul(xm * mask, weight_t) + decode_bias
    return y

if __name__ == "__main__":
    import jax
    _d = setup_inputs()
    print(jax.jit(kernel)(*tuple(_d.values())))

</pallas_src>

<mosaic_0001>
#map = affine_map<(d0, d1) -> (0, 0)>
#map1 = affine_map<(d0, d1) -> (0)>
module attributes {stable_mosaic.version = 14 : i64} {
  func.func @_sc_body(%arg0: i32, %arg1: i32, %arg2: memref<4096x4096xf32, #tpu.memory_space<hbm>>, %arg3: memref<4096xf32, #tpu.memory_space<hbm>>, %arg4: memref<32x4096xf32, #tpu.memory_space<hbm>>, %arg5: memref<8x4096xf32, #tpu.memory_space<vmem>>, %arg6: memref<8x4096xf32, #tpu.memory_space<vmem>>, %arg7: memref<48xf32, #tpu.memory_space<vmem>>, %arg8: memref<4096xf32, #tpu.memory_space<vmem>>, %arg9: memref<!tpu.dma_semaphore, #tpu.memory_space<semaphore_mem>>, %arg10: memref<!tpu.dma_semaphore, #tpu.memory_space<semaphore_mem>>) attributes {dimension_semantics = [#tpu.dimension_semantics<core_parallel>, #tpu.dimension_semantics<subcore_parallel>], iteration_bounds = array<i64: 2, 16>, scalar_prefetch = 0 : i64, scratch_operands = 6 : i64, tpu.core_type = #tpu.core_type<sc_vector_subcore>, window_params = [{transform_indices = #map}, {transform_indices = #map1}, {transform_indices = #map}]} {
    %mul3A = arith.constant 2 : i32
    %mul3A_0 = arith.muli %arg1, %mul3A : i32
    %add3A = arith.addi %mul3A_0, %arg0 : i32
    %mul3A_1 = arith.constant 48 : i32
    %mul3A_2 = arith.muli %add3A, %mul3A_1 : i32
    %add3A_3 = arith.constant 2560 : i32
    %add3A_4 = arith.addi %add3A_3, %mul3A_2 : i32
    "tpu.region"() ({
      %run_scoped3A = tpu.sem_alloc : memref<!tpu.dma_semaphore, #tpu.memory_space<semaphore_mem>>
      %dma_start3A_22 = tpu.memref_slice %arg3[%add3A_4] : memref<4096xf32, #tpu.memory_space<hbm>> -> memref<48xf32, #tpu.memory_space<hbm>>
      %dma_start3A_23 = tpu.memref_slice %arg3[%add3A_4] : memref<4096xf32, #tpu.memory_space<hbm>> -> memref<48xf32, #tpu.memory_space<hbm>>
      tpu.enqueue_dma source(%dma_start3A_23 : memref<48xf32, #tpu.memory_space<hbm>>) target(%arg7 : memref<48xf32, #tpu.memory_space<vmem>>) target_semaphore(%run_scoped3A : memref<!tpu.dma_semaphore, #tpu.memory_space<semaphore_mem>>)
      %dma_wait3A = tpu.memref_slice %arg3[%add3A_4] : memref<4096xf32, #tpu.memory_space<hbm>> -> memref<48xf32, #tpu.memory_space<hbm>>
      %dma_wait3A_24 = tpu.memref_slice %arg3[%add3A_4] : memref<4096xf32, #tpu.memory_space<hbm>> -> memref<48xf32, #tpu.memory_space<hbm>>
      tpu.wait_dma2 semaphore(%run_scoped3A : memref<!tpu.dma_semaphore, #tpu.memory_space<semaphore_mem>>) src(%dma_wait3A_24 : memref<48xf32, #tpu.memory_space<hbm>>) dst(%arg7 : memref<48xf32, #tpu.memory_space<vmem>>)
      tpu.yield
    }) : () -> ()
    %scan3A = arith.constant 0 : i32
    %scan3A_5 = arith.constant 3 : i32
    %scan3A_6 = arith.addi %scan3A, %scan3A_5 : i32
    %scan3A_7 = arith.constant 1 : i32
    scf.for %scan3A_22 = %scan3A to %scan3A_6 step %scan3A_7  : i32 {
      %mul3A_23 = arith.constant 16 : i32
      %mul3A_24 = arith.muli %scan3A_22, %mul3A_23 : i32
      %add3A_25 = arith.constant 0 : i32
      %add3A_26 = arith.addi %add3A_25, %mul3A_24 : i32
      %get3A = arith.index_cast %add3A_26 : i32 to index
      %get3A_27 = tpu.vector_load %arg7[%get3A] {strides = array<i32>} : memref<48xf32, #tpu.memory_space<vmem>>, vector<16xf32>,
      %get3A_28 = vector.shape_cast %get3A_27 : vector<16xf32> to vector<16xf32>
      %sub3A = arith.constant 2.000000e-02 : f32
      %sub3A_29 = vector.broadcast %sub3A : f32 to vector<16xf32>
      %sub3A_30 = arith.subf %get3A_28, %sub3A_29 : vector<16xf32>
      %abs3A = math.absf %sub3A_30 : vector<16xf32>
      %gt3A = arith.constant 1.000000e-01 : f32
      %gt3A_31 = vector.broadcast %gt3A : f32 to vector<16xf32>
      %gt3A_32 = arith.cmpf ogt, %abs3A, %gt3A_31 : vector<16xf32>
      %jit3A = arith.constant 0.000000e+00 : f32
      %broadcast_in_dim3A = vector.broadcast %jit3A : f32 to vector<16xf32>
      %select_n3A = arith.select %gt3A_32, %sub3A_30, %broadcast_in_dim3A : vector<16xi1>, vector<16xf32>
      %add3A_33 = arith.constant 2.000000e-02 : f32
      %add3A_34 = vector.broadcast %add3A_33 : f32 to vector<16xf32>
      %add3A_35 = arith.addf %select_n3A, %add3A_34 : vector<16xf32>
      %swap3A = arith.index_cast %add3A_26 : i32 to index
      %swap3A_36 = tpu.vector_load %arg7[%swap3A] {strides = array<i32>} : memref<48xf32, #tpu.memory_space<vmem>>, vector<16xf32>,
      %swap3A_37 = vector.shape_cast %swap3A_36 : vector<16xf32> to vector<16xf32>
      %swap3A_38 = vector.shape_cast %add3A_35 : vector<16xf32> to vector<16xf32>
      tpu.vector_store %arg7[%swap3A], %swap3A_38 {strides = array<i32>} : memref<48xf32, #tpu.memory_space<vmem>>, vector<16xf32>,
    }
    %scan3A_8 = arith.constant 3 : i32
    %scan3A_9 = arith.constant 0 : i32
    %scan3A_10 = arith.constant 256 : i32
    %scan3A_11 = arith.addi %scan3A_9, %scan3A_10 : i32
    %scan3A_12 = arith.constant 1 : i32
    scf.for %scan3A_22 = %scan3A_9 to %scan3A_11 step %scan3A_12  : i32 {
      %mul3A_23 = arith.constant 16 : i32
      %mul3A_24 = arith.muli %scan3A_22, %mul3A_23 : i32
      %add3A_25 = arith.constant 0 : i32
      %add3A_26 = arith.addi %add3A_25, %mul3A_24 : i32
      %broadcast_in_dim3A = arith.constant 0.000000e+00 : f32
      %broadcast_in_dim3A_27 = vector.broadcast %broadcast_in_dim3A : f32 to vector<16xf32>
      %swap3A = arith.index_cast %add3A_26 : i32 to index
      %swap3A_28 = tpu.vector_load %arg8[%swap3A] {strides = array<i32>} : memref<4096xf32, #tpu.memory_space<vmem>>, vector<16xf32>,
      %swap3A_29 = vector.shape_cast %swap3A_28 : vector<16xf32> to vector<16xf32>
      %swap3A_30 = vector.shape_cast %broadcast_in_dim3A_27 : vector<16xf32> to vector<16xf32>
      tpu.vector_store %arg8[%swap3A], %swap3A_30 {strides = array<i32>} : memref<4096xf32, #tpu.memory_space<vmem>>, vector<16xf32>,
    }
    %scan3A_13 = arith.constant 256 : i32
    %dma_start3A = arith.constant 0 : i32
    %dma_start3A_14 = tpu.memref_slice %arg2[%add3A_4, %dma_start3A] : memref<4096x4096xf32, #tpu.memory_space<hbm>> -> memref<8x4096xf32, #tpu.memory_space<hbm>>
    %dma_start3A_15 = arith.constant 0 : i32
    %dma_start3A_16 = tpu.memref_slice %arg2[%add3A_4, %dma_start3A_15] : memref<4096x4096xf32, #tpu.memory_space<hbm>> -> memref<8x4096xf32, #tpu.memory_space<hbm>>
    tpu.enqueue_dma source(%dma_start3A_16 : memref<8x4096xf32, #tpu.memory_space<hbm>>) target(%arg5 : memref<8x4096xf32, #tpu.memory_space<vmem>>) target_semaphore(%arg9 : memref<!tpu.dma_semaphore, #tpu.memory_space<semaphore_mem>>)
    %scan3A_17 = arith.constant 0 : i32
    %scan3A_18 = arith.constant 3 : i32
    %scan3A_19 = arith.addi %scan3A_17, %scan3A_18 : i32
    %scan3A_20 = arith.constant 1 : i32
    scf.for %scan3A_22 = %scan3A_17 to %scan3A_19 step %scan3A_20  : i32 {
      %mul3A_23 = arith.constant 16 : i32
      %mul3A_24 = arith.muli %scan3A_22, %mul3A_23 : i32
      %add3A_25 = arith.constant 0 : i32
      %add3A_26 = arith.addi %add3A_25, %mul3A_24 : i32
      %get3A = arith.index_cast %add3A_26 : i32 to index
      %get3A_27 = tpu.vector_load %arg7[%get3A] {strides = array<i32>} : memref<48xf32, #tpu.memory_space<vmem>>, vector<16xf32>,
      %get3A_28 = vector.shape_cast %get3A_27 : vector<16xf32> to vector<16xf32>
      %add3A_29 = arith.addi %add3A_4, %add3A_26 : i32
      %add3A_30 = arith.constant 8 : i32
      %add3A_31 = arith.addi %add3A_29, %add3A_30 : i32
      %dma_start3A_32 = arith.constant 0 : i32
      %dma_start3A_33 = tpu.memref_slice %arg2[%add3A_31, %dma_start3A_32] : memref<4096x4096xf32, #tpu.memory_space<hbm>> -> memref<8x4096xf32, #tpu.memory_space<hbm>>
      %dma_start3A_34 = arith.constant 0 : i32
      %dma_start3A_35 = tpu.memref_slice %arg2[%add3A_31, %dma_start3A_34] : memref<4096x4096xf32, #tpu.memory_space<hbm>> -> memref<8x4096xf32, #tpu.memory_space<hbm>>
      tpu.enqueue_dma source(%dma_start3A_35 : memref<8x4096xf32, #tpu.memory_space<hbm>>) target(%arg6 : memref<8x4096xf32, #tpu.memory_space<vmem>>) target_semaphore(%arg10 : memref<!tpu.dma_semaphore, #tpu.memory_space<semaphore_mem>>)
      %dma_wait3A = arith.constant 0 : i32
      %dma_wait3A_36 = tpu.memref_slice %arg2[%add3A_4, %dma_wait3A] : memref<4096x4096xf32, #tpu.memory_space<hbm>> -> memref<8x4096xf32, #tpu.memory_space<hbm>>
      %dma_wait3A_37 = arith.constant 0 : i32
      %dma_wait3A_38 = tpu.memref_slice %arg2[%add3A_4, %dma_wait3A_37] : memref<4096x4096xf32, #tpu.memory_space<hbm>> -> memref<8x4096xf32, #tpu.memory_space<hbm>>
      tpu.wait_dma2 semaphore(%arg9 : memref<!tpu.dma_semaphore, #tpu.memory_space<semaphore_mem>>) src(%dma_wait3A_38 : memref<8x4096xf32, #tpu.memory_space<hbm>>) dst(%arg5 : memref<8x4096xf32, #tpu.memory_space<vmem>>)
      %scan3A_39 = arith.constant 0 : i32
      %scan3A_40 = arith.constant 32 : i32
      %scan3A_41 = arith.addi %scan3A_39, %scan3A_40 : i32
      %scan3A_42 = arith.constant 1 : i32
      scf.for %scan3A_57 = %scan3A_39 to %scan3A_41 step %scan3A_42  : i32 {
        %mul3A_58 = arith.constant 128 : i32
        %mul3A_59 = arith.muli %scan3A_57, %mul3A_58 : i32
        %add3A_60 = arith.constant 0 : i32
        %add3A_61 = arith.addi %add3A_60, %mul3A_59 : i32
        %add3A_62 = arith.constant 0 : i32
        %add3A_63 = arith.addi %add3A_61, %add3A_62 : i32
        %get3A_64 = arith.index_cast %add3A_63 : i32 to index
        %get3A_65 = tpu.vector_load %arg8[%get3A_64] {strides = array<i32>} : memref<4096xf32, #tpu.memory_space<vmem>>, vector<16xf32>,
        %get3A_66 = vector.shape_cast %get3A_65 : vector<16xf32> to vector<16xf32>
        %add3A_67 = arith.constant 16 : i32
        %add3A_68 = arith.addi %add3A_61, %add3A_67 : i32
        %get3A_69 = arith.index_cast %add3A_68 : i32 to index
        %get3A_70 = tpu.vector_load %arg8[%get3A_69] {strides = array<i32>} : memref<4096xf32, #tpu.memory_space<vmem>>, vector<16xf32>,
        %get3A_71 = vector.shape_cast %get3A_70 : vector<16xf32> to vector<16xf32>
        %add3A_72 = arith.constant 32 : i32
        %add3A_73 = arith.addi %add3A_61, %add3A_72 : i32
        %get3A_74 = arith.index_cast %add3A_73 : i32 to index
        %get3A_75 = tpu.vector_load %arg8[%get3A_74] {strides = array<i32>} : memref<4096xf32, #tpu.memory_space<vmem>>, vector<16xf32>,
        %get3A_76 = vector.shape_cast %get3A_75 : vector<16xf32> to vector<16xf32>
        %add3A_77 = arith.constant 48 : i32
        %add3A_78 = arith.addi %add3A_61, %add3A_77 : i32
        %get3A_79 = arith.index_cast %add3A_78 : i32 to index
        %get3A_80 = tpu.vector_load %arg8[%get3A_79] {strides = array<i32>} : memref<4096xf32, #tpu.memory_space<vmem>>, vector<16xf32>,
        %get3A_81 = vector.shape_cast %get3A_80 : vector<16xf32> to vector<16xf32>
        %add3A_82 = arith.constant 64 : i32
        %add3A_83 = arith.addi %add3A_61, %add3A_82 : i32
        %get3A_84 = arith.index_cast %add3A_83 : i32 to index
        %get3A_85 = tpu.vector_load %arg8[%get3A_84] {strides = array<i32>} : memref<4096xf32, #tpu.memory_space<vmem>>, vector<16xf32>,
        %get3A_86 = vector.shape_cast %get3A_85 : vector<16xf32> to vector<16xf32>
        %add3A_87 = arith.constant 80 : i32
        %add3A_88 = arith.addi %add3A_61, %add3A_87 : i32
        %get3A_89 = arith.index_cast %add3A_88 : i32 to index
        %get3A_90 = tpu.vector_load %arg8[%get3A_89] {strides = array<i32>} : memref<4096xf32, #tpu.memory_space<vmem>>, vector<16xf32>,
        %get3A_91 = vector.shape_cast %get3A_90 : vector<16xf32> to vector<16xf32>
        %add3A_92 = arith.constant 96 : i32
        %add3A_93 = arith.addi %add3A_61, %add3A_92 : i32
        %get3A_94 = arith.index_cast %add3A_93 : i32 to index
        %get3A_95 = tpu.vector_load %arg8[%get3A_94] {strides = array<i32>} : memref<4096xf32, #tpu.memory_space<vmem>>, vector<16xf32>,
        %get3A_96 = vector.shape_cast %get3A_95 : vector<16xf32> to vector<16xf32>
        %add3A_97 = arith.constant 112 : i32
        %add3A_98 = arith.addi %add3A_61, %add3A_97 : i32
        %get3A_99 = arith.index_cast %add3A_98 : i32 to index
        %get3A_100 = tpu.vector_load %arg8[%get3A_99] {strides = array<i32>} : memref<4096xf32, #tpu.memory_space<vmem>>, vector<16xf32>,
        %get3A_101 = vector.shape_cast %get3A_100 : vector<16xf32> to vector<16xf32>
        %slice3A = vector.extract_strided_slice %get3A_28 {offsets = [0], sizes = [1], strides = [1]} : vector<16xf32> to vector<1xf32>
        %squeeze3A = vector.extract %slice3A[0] : f32 from vector<1xf32>
        %add3A_102 = arith.constant 0 : i32
        %add3A_103 = arith.addi %add3A_61, %add3A_102 : i32
        %get3A_104 = arith.constant 0 : i32
        %get3A_105 = arith.index_cast %get3A_104 : i32 to index
        %get3A_106 = arith.index_cast %add3A_103 : i32 to index
        %get3A_107 = tpu.vector_load %arg5[%get3A_105, %get3A_106] {strides = array<i32>} : memref<8x4096xf32, #tpu.memory_space<vmem>>, vector<1x16xf32>,
        %get3A_108 = vector.shape_cast %get3A_107 : vector<1x16xf32> to vector<16xf32>
        %mul3A_109 = vector.broadcast %squeeze3A : f32 to vector<16xf32>
        %mul3A_110 = arith.mulf %mul3A_109, %get3A_108 : vector<16xf32>
        %add3A_111 = arith.addf %get3A_66, %mul3A_110 : vector<16xf32>
        %slice3A_112 = vector.extract_strided_slice %get3A_28 {offsets = [0], sizes = [1], strides = [1]} : vector<16xf32> to vector<1xf32>
        %squeeze3A_113 = vector.extract %slice3A_112[0] : f32 from vector<1xf32>
        %add3A_114 = arith.constant 16 : i32
        %add3A_115 = arith.addi %add3A_61, %add3A_114 : i32
        %get3A_116 = arith.constant 0 : i32
        %get3A_117 = arith.index_cast %get3A_116 : i32 to index
        %get3A_118 = arith.index_cast %add3A_115 : i32 to index
        %get3A_119 = tpu.vector_load %arg5[%get3A_117, %get3A_118] {strides = array<i32>} : memref<8x4096xf32, #tpu.memory_space<vmem>>, vector<1x16xf32>,
        %get3A_120 = vector.shape_cast %get3A_119 : vector<1x16xf32> to vector<16xf32>
        %mul3A_121 = vector.broadcast %squeeze3A_113 : f32 to vector<16xf32>
        %mul3A_122 = arith.mulf %mul3A_121, %get3A_120 : vector<16xf32>
        %add3A_123 = arith.addf %get3A_71, %mul3A_122 : vector<16xf32>
        %slice3A_124 = vector.extract_strided_slice %get3A_28 {offsets = [0], sizes = [1], strides = [1]} : vector<16xf32> to vector<1xf32>
        %squeeze3A_125 = vector.extract %slice3A_124[0] : f32 from vector<1xf32>
        %add3A_126 = arith.constant 32 : i32
        %add3A_127 = arith.addi %add3A_61, %add3A_126 : i32
        %get3A_128 = arith.constant 0 : i32
        %get3A_129 = arith.index_cast %get3A_128 : i32 to index
        %get3A_130 = arith.index_cast %add3A_127 : i32 to index
        %get3A_131 = tpu.vector_load %arg5[%get3A_129, %get3A_130] {strides = array<i32>} : memref<8x4096xf32, #tpu.memory_space<vmem>>, vector<1x16xf32>,
        %get3A_132 = vector.shape_cast %get3A_131 : vector<1x16xf32> to vector<16xf32>
        %mul3A_133 = vector.broadcast %squeeze3A_125 : f32 to vector<16xf32>
        %mul3A_134 = arith.mulf %mul3A_133, %get3A_132 : vector<16xf32>
        %add3A_135 = arith.addf %get3A_76, %mul3A_134 : vector<16xf32>
        %slice3A_136 = vector.extract_strided_slice %get3A_28 {offsets = [0], sizes = [1], strides = [1]} : vector<16xf32> to vector<1xf32>
        %squeeze3A_137 = vector.extract %slice3A_136[0] : f32 from vector<1xf32>
        %add3A_138 = arith.constant 48 : i32
        %add3A_139 = arith.addi %add3A_61, %add3A_138 : i32
        %get3A_140 = arith.constant 0 : i32
        %get3A_141 = arith.index_cast %get3A_140 : i32 to index
        %get3A_142 = arith.index_cast %add3A_139 : i32 to index
        %get3A_143 = tpu.vector_load %arg5[%get3A_141, %get3A_142] {strides = array<i32>} : memref<8x4096xf32, #tpu.memory_space<vmem>>, vector<1x16xf32>,
        %get3A_144 = vector.shape_cast %get3A_143 : vector<1x16xf32> to vector<16xf32>
        %mul3A_145 = vector.broadcast %squeeze3A_137 : f32 to vector<16xf32>
        %mul3A_146 = arith.mulf %mul3A_145, %get3A_144 : vector<16xf32>
        %add3A_147 = arith.addf %get3A_81, %mul3A_146 : vector<16xf32>
        %slice3A_148 = vector.extract_strided_slice %get3A_28 {offsets = [0], sizes = [1], strides = [1]} : vector<16xf32> to vector<1xf32>
        %squeeze3A_149 = vector.extract %slice3A_148[0] : f32 from vector<1xf32>
        %add3A_150 = arith.constant 64 : i32
        %add3A_151 = arith.addi %add3A_61, %add3A_150 : i32
        %get3A_152 = arith.constant 0 : i32
        %get3A_153 = arith.index_cast %get3A_152 : i32 to index
        %get3A_154 = arith.index_cast %add3A_151 : i32 to index
        %get3A_155 = tpu.vector_load %arg5[%get3A_153, %get3A_154] {strides = array<i32>} : memref<8x4096xf32, #tpu.memory_space<vmem>>, vector<1x16xf32>,
        %get3A_156 = vector.shape_cast %get3A_155 : vector<1x16xf32> to vector<16xf32>
        %mul3A_157 = vector.broadcast %squeeze3A_149 : f32 to vector<16xf32>
        %mul3A_158 = arith.mulf %mul3A_157, %get3A_156 : vector<16xf32>
        %add3A_159 = arith.addf %get3A_86, %mul3A_158 : vector<16xf32>
        %slice3A_160 = vector.extract_strided_slice %get3A_28 {offsets = [0], sizes = [1], strides = [1]} : vector<16xf32> to vector<1xf32>
        %squeeze3A_161 = vector.extract %slice3A_160[0] : f32 from vector<1xf32>
        %add3A_162 = arith.constant 80 : i32
        %add3A_163 = arith.addi %add3A_61, %add3A_162 : i32
        %get3A_164 = arith.constant 0 : i32
        %get3A_165 = arith.index_cast %get3A_164 : i32 to index
        %get3A_166 = arith.index_cast %add3A_163 : i32 to index
        %get3A_167 = tpu.vector_load %arg5[%get3A_165, %get3A_166] {strides = array<i32>} : memref<8x4096xf32, #tpu.memory_space<vmem>>, vector<1x16xf32>,
        %get3A_168 = vector.shape_cast %get3A_167 : vector<1x16xf32> to vector<16xf32>
        %mul3A_169 = vector.broadcast %squeeze3A_161 : f32 to vector<16xf32>
        %mul3A_170 = arith.mulf %mul3A_169, %get3A_168 : vector<16xf32>
        %add3A_171 = arith.addf %get3A_91, %mul3A_170 : vector<16xf32>
        %slice3A_172 = vector.extract_strided_slice %get3A_28 {offsets = [0], sizes = [1], strides = [1]} : vector<16xf32> to vector<1xf32>
        %squeeze3A_173 = vector.extract %slice3A_172[0] : f32 from vector<1xf32>
        %add3A_174 = arith.constant 96 : i32
        %add3A_175 = arith.addi %add3A_61, %add3A_174 : i32
        %get3A_176 = arith.constant 0 : i32
        %get3A_177 = arith.index_cast %get3A_176 : i32 to index
        %get3A_178 = arith.index_cast %add3A_175 : i32 to index
        %get3A_179 = tpu.vector_load %arg5[%get3A_177, %get3A_178] {strides = array<i32>} : memref<8x4096xf32, #tpu.memory_space<vmem>>, vector<1x16xf32>,
        %get3A_180 = vector.shape_cast %get3A_179 : vector<1x16xf32> to vector<16xf32>
        %mul3A_181 = vector.broadcast %squeeze3A_173 : f32 to vector<16xf32>
        %mul3A_182 = arith.mulf %mul3A_181, %get3A_180 : vector<16xf32>
        %add3A_183 = arith.addf %get3A_96, %mul3A_182 : vector<16xf32>
        %slice3A_184 = vector.extract_strided_slice %get3A_28 {offsets = [0], sizes = [1], strides = [1]} : vector<16xf32> to vector<1xf32>
        %squeeze3A_185 = vector.extract %slice3A_184[0] : f32 from vector<1xf32>
        %add3A_186 = arith.constant 112 : i32
        %add3A_187 = arith.addi %add3A_61, %add3A_186 : i32
        %get3A_188 = arith.constant 0 : i32
        %get3A_189 = arith.index_cast %get3A_188 : i32 to index
        %get3A_190 = arith.index_cast %add3A_187 : i32 to index
        %get3A_191 = tpu.vector_load %arg5[%get3A_189, %get3A_190] {strides = array<i32>} : memref<8x4096xf32, #tpu.memory_space<vmem>>, vector<1x16xf32>,
        %get3A_192 = vector.shape_cast %get3A_191 : vector<1x16xf32> to vector<16xf32>
        %mul3A_193 = vector.broadcast %squeeze3A_185 : f32 to vector<16xf32>
        %mul3A_194 = arith.mulf %mul3A_193, %get3A_192 : vector<16xf32>
        %add3A_195 = arith.addf %get3A_101, %mul3A_194 : vector<16xf32>
        %slice3A_196 = vector.extract_strided_slice %get3A_28 {offsets = [1], sizes = [1], strides = [1]} : vector<16xf32> to vector<1xf32>
        %squeeze3A_197 = vector.extract %slice3A_196[0] : f32 from vector<1xf32>
        %add3A_198 = arith.constant 0 : i32
        %add3A_199 = arith.addi %add3A_61, %add3A_198 : i32
        %get3A_200 = arith.constant 1 : i32
        %get3A_201 = arith.index_cast %get3A_200 : i32 to index
        %get3A_202 = arith.index_cast %add3A_199 : i32 to index
        %get3A_203 = tpu.vector_load %arg5[%get3A_201, %get3A_202] {strides = array<i32>} : memref<8x4096xf32, #tpu.memory_space<vmem>>, vector<1x16xf32>,
        %get3A_204 = vector.shape_cast %get3A_203 : vector<1x16xf32> to vector<16xf32>
        %mul3A_205 = vector.broadcast %squeeze3A_197 : f32 to vector<16xf32>
        %mul3A_206 = arith.mulf %mul3A_205, %get3A_204 : vector<16xf32>
        %add3A_207 = arith.addf %add3A_111, %mul3A_206 : vector<16xf32>
        %slice3A_208 = vector.extract_strided_slice %get3A_28 {offsets = [1], sizes = [1], strides = [1]} : vector<16xf32> to vector<1xf32>
        %squeeze3A_209 = vector.extract %slice3A_208[0] : f32 from vector<1xf32>
        %add3A_210 = arith.constant 16 : i32
        %add3A_211 = arith.addi %add3A_61, %add3A_210 : i32
        %get3A_212 = arith.constant 1 : i32
        %get3A_213 = arith.index_cast %get3A_212 : i32 to index
        %get3A_214 = arith.index_cast %add3A_211 : i32 to index
        %get3A_215 = tpu.vector_load %arg5[%get3A_213, %get3A_214] {strides = array<i32>} : memref<8x4096xf32, #tpu.memory_space<vmem>>, vector<1x16xf32>,
        %get3A_216 = vector.shape_cast %get3A_215 : vector<1x16xf32> to vector<16xf32>
        %mul3A_217 = vector.broadcast %squeeze3A_209 : f32 to vector<16xf32>
        %mul3A_218 = arith.mulf %mul3A_217, %get3A_216 : vector<16xf32>
        %add3A_219 = arith.addf %add3A_123, %mul3A_218 : vector<16xf32>
        %slice3A_220 = vector.extract_strided_slice %get3A_28 {offsets = [1], sizes = [1], strides = [1]} : vector<16xf32> to vector<1xf32>
        %squeeze3A_221 = vector.extract %slice3A_220[0] : f32 from vector<1xf32>
        %add3A_222 = arith.constant 32 : i32
        %add3A_223 = arith.addi %add3A_61, %add3A_222 : i32
        %get3A_224 = arith.constant 1 : i32
        %get3A_225 = arith.index_cast %get3A_224 : i32 to index
        %get3A_226 = arith.index_cast %add3A_223 : i32 to index
        %get3A_227 = tpu.vector_load %arg5[%get3A_225, %get3A_226] {strides = array<i32>} : memref<8x4096xf32, #tpu.memory_space<vmem>>, vector<1x16xf32>,
        %get3A_228 = vector.shape_cast %get3A_227 : vector<1x16xf32> to vector<16xf32>
        %mul3A_229 = vector.broadcast %squeeze3A_221 : f32 to vector<16xf32>
        %mul3A_230 = arith.mulf %mul3A_229, %get3A_228 : vector<16xf32>
        %add3A_231 = arith.addf %add3A_135, %mul3A_230 : vector<16xf32>
        %slice3A_232 = vector.extract_strided_slice %get3A_28 {offsets = [1], sizes = [1], strides = [1]} : vector<16xf32> to vector<1xf32>
        %squeeze3A_233 = vector.extract %slice3A_232[0] : f32 from vector<1xf32>
        %add3A_234 = arith.constant 48 : i32
        %add3A_235 = arith.addi %add3A_61, %add3A_234 : i32
        %get3A_236 = arith.constant 1 : i32
        %get3A_237 = arith.index_cast %get3A_236 : i32 to index
        %get3A_238 = arith.index_cast %add3A_235 : i32 to index
        %get3A_239 = tpu.vector_load %arg5[%get3A_237, %get3A_238] {strides = array<i32>} : memref<8x4096xf32, #tpu.memory_space<vmem>>, vector<1x16xf32>,
        %get3A_240 = vector.shape_cast %get3A_239 : vector<1x16xf32> to vector<16xf32>
        %mul3A_241 = vector.broadcast %squeeze3A_233 : f32 to vector<16xf32>
        %mul3A_242 = arith.mulf %mul3A_241, %get3A_240 : vector<16xf32>
        %add3A_243 = arith.addf %add3A_147, %mul3A_242 : vector<16xf32>
        %slice3A_244 = vector.extract_strided_slice %get3A_28 {offsets = [1], sizes = [1], strides = [1]} : vector<16xf32> to vector<1xf32>
        %squeeze3A_245 = vector.extract %slice3A_244[0] : f32 from vector<1xf32>
        %add3A_246 = arith.constant 64 : i32
        %add3A_247 = arith.addi %add3A_61, %add3A_246 : i32
        %get3A_248 = arith.constant 1 : i32
        %get3A_249 = arith.index_cast %get3A_248 : i32 to index
        %get3A_250 = arith.index_cast %add3A_247 : i32 to index
        %get3A_251 = tpu.vector_load %arg5[%get3A_249, %get3A_250] {strides = array<i32>} : memref<8x4096xf32, #tpu.memory_space<vmem>>, vector<1x16xf32>,
        %get3A_252 = vector.shape_cast %get3A_251 : vector<1x16xf32> to vector<16xf32>
        %mul3A_253 = vector.broadcast %squeeze3A_245 : f32 to vector<16xf32>
        %mul3A_254 = arith.mulf %mul3A_253, %get3A_252 : vector<16xf32>
        %add3A_255 = arith.addf %add3A_159, %mul3A_254 : vector<16xf32>
        %slice3A_256 = vector.extract_strided_slice %get3A_28 {offsets = [1], sizes = [1], strides = [1]} : vector<16xf32> to vector<1xf32>
        %squeeze3A_257 = vector.extract %slice3A_256[0] : f32 from vector<1xf32>
        %add3A_258 = arith.constant 80 : i32
        %add3A_259 = arith.addi %add3A_61, %add3A_258 : i32
        %get3A_260 = arith.constant 1 : i32
        %get3A_261 = arith.index_cast %get3A_260 : i32 to index
        %get3A_262 = arith.index_cast %add3A_259 : i32 to index
        %get3A_263 = tpu.vector_load %arg5[%get3A_261, %get3A_262] {strides = array<i32>} : memref<8x4096xf32, #tpu.memory_space<vmem>>, vector<1x16xf32>,
        %get3A_264 = vector.shape_cast %get3A_263 : vector<1x16xf32> to vector<16xf32>
        %mul3A_265 = vector.broadcast %squeeze3A_257 : f32 to vector<16xf32>
        %mul3A_266 = arith.mulf %mul3A_265, %get3A_264 : vector<16xf32>
        %add3A_267 = arith.addf %add3A_171, %mul3A_266 : vector<16xf32>
        %slice3A_268 = vector.extract_strided_slice %get3A_28 {offsets = [1], sizes = [1], strides = [1]} : vector<16xf32> to vector<1xf32>
        %squeeze3A_269 = vector.extract %slice3A_268[0] : f32 from vector<1xf32>
        %add3A_270 = arith.constant 96 : i32
        %add3A_271 = arith.addi %add3A_61, %add3A_270 : i32
        %get3A_272 = arith.constant 1 : i32
        %get3A_273 = arith.index_cast %get3A_272 : i32 to index
        %get3A_274 = arith.index_cast %add3A_271 : i32 to index
        %get3A_275 = tpu.vector_load %arg5[%get3A_273, %get3A_274] {strides = array<i32>} : memref<8x4096xf32, #tpu.memory_space<vmem>>, vector<1x16xf32>,
        %get3A_276 = vector.shape_cast %get3A_275 : vector<1x16xf32> to vector<16xf32>
        %mul3A_277 = vector.broadcast %squeeze3A_269 : f32 to vector<16xf32>
        %mul3A_278 = arith.mulf %mul3A_277, %get3A_276 : vector<16xf32>
        %add3A_279 = arith.addf %add3A_183, %mul3A_278 : vector<16xf32>
        %slice3A_280 = vector.extract_strided_slice %get3A_28 {offsets = [1], sizes = [1], strides = [1]} : vector<16xf32> to vector<1xf32>
        %squeeze3A_281 = vector.extract %slice3A_280[0] : f32 from vector<1xf32>
        %add3A_282 = arith.constant 112 : i32
        %add3A_283 = arith.addi %add3A_61, %add3A_282 : i32
        %get3A_284 = arith.constant 1 : i32
        %get3A_285 = arith.index_cast %get3A_284 : i32 to index
        %get3A_286 = arith.index_cast %add3A_283 : i32 to index
        %get3A_287 = tpu.vector_load %arg5[%get3A_285, %get3A_286] {strides = array<i32>} : memref<8x4096xf32, #tpu.memory_space<vmem>>, vector<1x16xf32>,
        %get3A_288 = vector.shape_cast %get3A_287 : vector<1x16xf32> to vector<16xf32>
        %mul3A_289 = vector.broadcast %squeeze3A_281 : f32 to vector<16xf32>
        %mul3A_290 = arith.mulf %mul3A_289, %get3A_288 : vector<16xf32>
        %add3A_291 = arith.addf %add3A_195, %mul3A_290 : vector<16xf32>
        %slice3A_292 = vector.extract_strided_slice %get3A_28 {offsets = [2], sizes = [1], strides = [1]} : vector<16xf32> to vector<1xf32>
        %squeeze3A_293 = vector.extract %slice3A_292[0] : f32 from vector<1xf32>
        %add3A_294 = arith.constant 0 : i32
        %add3A_295 = arith.addi %add3A_61, %add3A_294 : i32
        %get3A_296 = arith.constant 2 : i32
        %get3A_297 = arith.index_cast %get3A_296 : i32 to index
        %get3A_298 = arith.index_cast %add3A_295 : i32 to index
        %get3A_299 = tpu.vector_load %arg5[%get3A_297, %get3A_298] {strides = array<i32>} : memref<8x4096xf32, #tpu.memory_space<vmem>>, vector<1x16xf32>,
        %get3A_300 = vector.shape_cast %get3A_299 : vector<1x16xf32> to vector<16xf32>
        %mul3A_301 = vector.broadcast %squeeze3A_293 : f32 to vector<16xf32>
        %mul3A_302 = arith.mulf %mul3A_301, %get3A_300 : vector<16xf32>
        %add3A_303 = arith.addf %add3A_207, %mul3A_302 : vector<16xf32>
        %slice3A_304 = vector.extract_strided_slice %get3A_28 {offsets = [2], sizes = [1], strides = [1]} : vector<16xf32> to vector<1xf32>
        %squeeze3A_305 = vector.extract %slice3A_304[0] : f32 from vector<1xf32>
        %add3A_306 = arith.constant 16 : i32
        %add3A_307 = arith.addi %add3A_61, %add3A_306 : i32
        %get3A_308 = arith.constant 2 : i32
        %get3A_309 = arith.index_cast %get3A_308 : i32 to index
        %get3A_310 = arith.index_cast %add3A_307 : i32 to index
        %get3A_311 = tpu.vector_load %arg5[%get3A_309, %get3A_310] {strides = array<i32>} : memref<8x4096xf32, #tpu.memory_space<vmem>>, vector<1x16xf32>,
        %get3A_312 = vector.shape_cast %get3A_311 : vector<1x16xf32> to vector<16xf32>
        %mul3A_313 = vector.broadcast %squeeze3A_305 : f32 to vector<16xf32>
        %mul3A_314 = arith.mulf %mul3A_313, %get3A_312 : vector<16xf32>
        %add3A_315 = arith.addf %add3A_219, %mul3A_314 : vector<16xf32>
        %slice3A_316 = vector.extract_strided_slice %get3A_28 {offsets = [2], sizes = [1], strides = [1]} : vector<16xf32> to vector<1xf32>
        %squeeze3A_317 = vector.extract %slice3A_316[0] : f32 from vector<1xf32>
        %add3A_318 = arith.constant 32 : i32
        %add3A_319 = arith.addi %add3A_61, %add3A_318 : i32
        %get3A_320 = arith.constant 2 : i32
        %get3A_321 = arith.index_cast %get3A_320 : i32 to index
        %get3A_322 = arith.index_cast %add3A_319 : i32 to index
        %get3A_323 = tpu.vector_load %arg5[%get3A_321, %get3A_322] {strides = array<i32>} : memref<8x4096xf32, #tpu.memory_space<vmem>>, vector<1x16xf32>,
        %get3A_324 = vector.shape_cast %get3A_323 : vector<1x16xf32> to vector<16xf32>
        %mul3A_325 = vector.broadcast %squeeze3A_317 : f32 to vector<16xf32>
        %mul3A_326 = arith.mulf %mul3A_325, %get3A_324 : vector<16xf32>
        %add3A_327 = arith.addf %add3A_231, %mul3A_326 : vector<16xf32>
        %slice3A_328 = vector.extract_strided_slice %get3A_28 {offsets = [2], sizes = [1], strides = [1]} : vector<16xf32> to vector<1xf32>
        %squeeze3A_329 = vector.extract %slice3A_328[0] : f32 from vector<1xf32>
        %add3A_330 = arith.constant 48 : i32
        %add3A_331 = arith.addi %add3A_61, %add3A_330 : i32
        %get3A_332 = arith.constant 2 : i32
        %get3A_333 = arith.index_cast %get3A_332 : i32 to index
        %get3A_334 = arith.index_cast %add3A_331 : i32 to index
        %get3A_335 = tpu.vector_load %arg5[%get3A_333, %get3A_334] {strides = array<i32>} : memref<8x4096xf32, #tpu.memory_space<vmem>>, vector<1x16xf32>,
        %get3A_336 = vector.shape_cast %get3A_335 : vector<1x16xf32> to vector<16xf32>
        %mul3A_337 = vector.broadcast %squeeze3A_329 : f32 to vector<16xf32>
        %mul3A_338 = arith.mulf %mul3A_337, %get3A_336 : vector<16xf32>
        %add3A_339 = arith.addf %add3A_243, %mul3A_338 : vector<16xf32>
        %slice3A_340 = vector.extract_strided_slice %get3A_28 {offsets = [2], sizes = [1], strides = [1]} : vector<16xf32> to vector<1xf32>
        %squeeze3A_341 = vector.extract %slice3A_340[0] : f32 from vector<1xf32>
        %add3A_342 = arith.constant 64 : i32
        %add3A_343 = arith.addi %add3A_61, %add3A_342 : i32
        %get3A_344 = arith.constant 2 : i32
        %get3A_345 = arith.index_cast %get3A_344 : i32 to index
        %get3A_346 = arith.index_cast %add3A_343 : i32 to index
        %get3A_347 = tpu.vector_load %arg5[%get3A_345, %get3A_346] {strides = array<i32>} : memref<8x4096xf32, #tpu.memory_space<vmem>>, vector<1x16xf32>,
        %get3A_348 = vector.shape_cast %get3A_347 : vector<1x16xf32> to vector<16xf32>
        %mul3A_349 = vector.broadcast %squeeze3A_341 : f32 to vector<16xf32>
        %mul3A_350 = arith.mulf %mul3A_349, %get3A_348 : vector<16xf32>
        %add3A_351 = arith.addf %add3A_255, %mul3A_350 : vector<16xf32>
        %slice3A_352 = vector.extract_strided_slice %get3A_28 {offsets = [2], sizes = [1], strides = [1]} : vector<16xf32> to vector<1xf32>
        %squeeze3A_353 = vector.extract %slice3A_352[0] : f32 from vector<1xf32>
        %add3A_354 = arith.constant 80 : i32
        %add3A_355 = arith.addi %add3A_61, %add3A_354 : i32
        %get3A_356 = arith.constant 2 : i32
        %get3A_357 = arith.index_cast %get3A_356 : i32 to index
        %get3A_358 = arith.index_cast %add3A_355 : i32 to index
        %get3A_359 = tpu.vector_load %arg5[%get3A_357, %get3A_358] {strides = array<i32>} : memref<8x4096xf32, #tpu.memory_space<vmem>>, vector<1x16xf32>,
        %get3A_360 = vector.shape_cast %get3A_359 : vector<1x16xf32> to vector<16xf32>
        %mul3A_361 = vector.broadcast %squeeze3A_353 : f32 to vector<16xf32>
        %mul3A_362 = arith.mulf %mul3A_361, %get3A_360 : vector<16xf32>
        %add3A_363 = arith.addf %add3A_267, %mul3A_362 : vector<16xf32>
        %slice3A_364 = vector.extract_strided_slice %get3A_28 {offsets = [2], sizes = [1], strides = [1]} : vector<16xf32> to vector<1xf32>
        %squeeze3A_365 = vector.extract %slice3A_364[0] : f32 from vector<1xf32>
        %add3A_366 = arith.constant 96 : i32
        %add3A_367 = arith.addi %add3A_61, %add3A_366 : i32
        %get3A_368 = arith.constant 2 : i32
        %get3A_369 = arith.index_cast %get3A_368 : i32 to index
        %get3A_370 = arith.index_cast %add3A_367 : i32 to index
        %get3A_371 = tpu.vector_load %arg5[%get3A_369, %get3A_370] {strides = array<i32>} : memref<8x4096xf32, #tpu.memory_space<vmem>>, vector<1x16xf32>,
        %get3A_372 = vector.shape_cast %get3A_371 : vector<1x16xf32> to vector<16xf32>
        %mul3A_373 = vector.broadcast %squeeze3A_365 : f32 to vector<16xf32>
        %mul3A_374 = arith.mulf %mul3A_373, %get3A_372 : vector<16xf32>
        %add3A_375 = arith.addf %add3A_279, %mul3A_374 : vector<16xf32>
        %slice3A_376 = vector.extract_strided_slice %get3A_28 {offsets = [2], sizes = [1], strides = [1]} : vector<16xf32> to vector<1xf32>
        %squeeze3A_377 = vector.extract %slice3A_376[0] : f32 from vector<1xf32>
        %add3A_378 = arith.constant 112 : i32
        %add3A_379 = arith.addi %add3A_61, %add3A_378 : i32
        %get3A_380 = arith.constant 2 : i32
        %get3A_381 = arith.index_cast %get3A_380 : i32 to index
        %get3A_382 = arith.index_cast %add3A_379 : i32 to index
        %get3A_383 = tpu.vector_load %arg5[%get3A_381, %get3A_382] {strides = array<i32>} : memref<8x4096xf32, #tpu.memory_space<vmem>>, vector<1x16xf32>,
        %get3A_384 = vector.shape_cast %get3A_383 : vector<1x16xf32> to vector<16xf32>
        %mul3A_385 = vector.broadcast %squeeze3A_377 : f32 to vector<16xf32>
        %mul3A_386 = arith.mulf %mul3A_385, %get3A_384 : vector<16xf32>
        %add3A_387 = arith.addf %add3A_291, %mul3A_386 : vector<16xf32>
        %slice3A_388 = vector.extract_strided_slice %get3A_28 {offsets = [3], sizes = [1], strides = [1]} : vector<16xf32> to vector<1xf32>
        %squeeze3A_389 = vector.extract %slice3A_388[0] : f32 from vector<1xf32>
        %add3A_390 = arith.constant 0 : i32
        %add3A_391 = arith.addi %add3A_61, %add3A_390 : i32
        %get3A_392 = arith.constant 3 : i32
        %get3A_393 = arith.index_cast %get3A_392 : i32 to index
        %get3A_394 = arith.index_cast %add3A_391 : i32 to index
        %get3A_395 = tpu.vector_load %arg5[%get3A_393, %get3A_394] {strides = array<i32>} : memref<8x4096xf32, #tpu.memory_space<vmem>>, vector<1x16xf32>,
        %get3A_396 = vector.shape_cast %get3A_395 : vector<1x16xf32> to vector<16xf32>
        %mul3A_397 = vector.broadcast %squeeze3A_389 : f32 to vector<16xf32>
        %mul3A_398 = arith.mulf %mul3A_397, %get3A_396 : vector<16xf32>
        %add3A_399 = arith.addf %add3A_303, %mul3A_398 : vector<16xf32>
        %slice3A_400 = vector.extract_strided_slice %get3A_28 {offsets = [3], sizes = [1], strides = [1]} : vector<16xf32> to vector<1xf32>
        %squeeze3A_401 = vector.extract %slice3A_400[0] : f32 from vector<1xf32>
        %add3A_402 = arith.constant 16 : i32
        %add3A_403 = arith.addi %add3A_61, %add3A_402 : i32
        %get3A_404 = arith.constant 3 : i32
        %get3A_405 = arith.index_cast %get3A_404 : i32 to index
        %get3A_406 = arith.index_cast %add3A_403 : i32 to index
        %get3A_407 = tpu.vector_load %arg5[%get3A_405, %get3A_406] {strides = array<i32>} : memref<8x4096xf32, #tpu.memory_space<vmem>>, vector<1x16xf32>,
        %get3A_408 = vector.shape_cast %get3A_407 : vector<1x16xf32> to vector<16xf32>
        %mul3A_409 = vector.broadcast %squeeze3A_401 : f32 to vector<16xf32>
        %mul3A_410 = arith.mulf %mul3A_409, %get3A_408 : vector<16xf32>
        %add3A_411 = arith.addf %add3A_315, %mul3A_410 : vector<16xf32>
        %slice3A_412 = vector.extract_strided_slice %get3A_28 {offsets = [3], sizes = [1], strides = [1]} : vector<16xf32> to vector<1xf32>
        %squeeze3A_413 = vector.extract %slice3A_412[0] : f32 from vector<1xf32>
        %add3A_414 = arith.constant 32 : i32
        %add3A_415 = arith.addi %add3A_61, %add3A_414 : i32
        %get3A_416 = arith.constant 3 : i32
        %get3A_417 = arith.index_cast %get3A_416 : i32 to index
        %get3A_418 = arith.index_cast %add3A_415 : i32 to index
        %get3A_419 = tpu.vector_load %arg5[%get3A_417, %get3A_418] {strides = array<i32>} : memref<8x4096xf32, #tpu.memory_space<vmem>>, vector<1x16xf32>,
        %get3A_420 = vector.shape_cast %get3A_419 : vector<1x16xf32> to vector<16xf32>
        %mul3A_421 = vector.broadcast %squeeze3A_413 : f32 to vector<16xf32>
        %mul3A_422 = arith.mulf %mul3A_421, %get3A_420 : vector<16xf32>
        %add3A_423 = arith.addf %add3A_327, %mul3A_422 : vector<16xf32>
        %slice3A_424 = vector.extract_strided_slice %get3A_28 {offsets = [3], sizes = [1], strides = [1]} : vector<16xf32> to vector<1xf32>
        %squeeze3A_425 = vector.extract %slice3A_424[0] : f32 from vector<1xf32>
        %add3A_426 = arith.constant 48 : i32
        %add3A_427 = arith.addi %add3A_61, %add3A_426 : i32
        %get3A_428 = arith.constant 3 : i32
        %get3A_429 = arith.index_cast %get3A_428 : i32 to index
        %get3A_430 = arith.index_cast %add3A_427 : i32 to index
        %get3A_431 = tpu.vector_load %arg5[%get3A_429, %get3A_430] {strides = array<i32>} : memref<8x4096xf32, #tpu.memory_space<vmem>>, vector<1x16xf32>,
        %get3A_432 = vector.shape_cast %get3A_431 : vector<1x16xf32> to vector<16xf32>
        %mul3A_433 = vector.broadcast %squeeze3A_425 : f32 to vector<16xf32>
        %mul3A_434 = arith.mulf %mul3A_433, %get3A_432 : vector<16xf32>
        %add3A_435 = arith.addf %add3A_339, %mul3A_434 : vector<16xf32>
        %slice3A_436 = vector.extract_strided_slice %get3A_28 {offsets = [3], sizes = [1], strides = [1]} : vector<16xf32> to vector<1xf32>
        %squeeze3A_437 = vector.extract %slice3A_436[0] : f32 from vector<1xf32>
        %add3A_438 = arith.constant 64 : i32
        %add3A_439 = arith.addi %add3A_61, %add3A_438 : i32
        %get3A_440 = arith.constant 3 : i32
        %get3A_441 = arith.index_cast %get3A_440 : i32 to index
        %get3A_442 = arith.index_cast %add3A_439 : i32 to index
        %get3A_443 = tpu.vector_load %arg5[%get3A_441, %get3A_442] {strides = array<i32>} : memref<8x4096xf32, #tpu.memory_space<vmem>>, vector<1x16xf32>,
        %get3A_444 = vector.shape_cast %get3A_443 : vector<1x16xf32> to vector<16xf32>
        %mul3A_445 = vector.broadcast %squeeze3A_437 : f32 to vector<16xf32>
        %mul3A_446 = arith.mulf %mul3A_445, %get3A_444 : vector<16xf32>
        %add3A_447 = arith.addf %add3A_351, %mul3A_446 : vector<16xf32>
        %slice3A_448 = vector.extract_strided_slice %get3A_28 {offsets = [3], sizes = [1], strides = [1]} : vector<16xf32> to vector<1xf32>
        %squeeze3A_449 = vector.extract %slice3A_448[0] : f32 from vector<1xf32>
        %add3A_450 = arith.constant 80 : i32
        %add3A_451 = arith.addi %add3A_61, %add3A_450 : i32
        %get3A_452 = arith.constant 3 : i32
        %get3A_453 = arith.index_cast %get3A_452 : i32 to index
        %get3A_454 = arith.index_cast %add3A_451 : i32 to index
        %get3A_455 = tpu.vector_load %arg5[%get3A_453, %get3A_454] {strides = array<i32>} : memref<8x4096xf32, #tpu.memory_space<vmem>>, vector<1x16xf32>,
        %get3A_456 = vector.shape_cast %get3A_455 : vector<1x16xf32> to vector<16xf32>
        %mul3A_457 = vector.broadcast %squeeze3A_449 : f32 to vector<16xf32>
        %mul3A_458 = arith.mulf %mul3A_457, %get3A_456 : vector<16xf32>
        %add3A_459 = arith.addf %add3A_363, %mul3A_458 : vector<16xf32>
        %slice3A_460 = vector.extract_strided_slice %get3A_28 {offsets = [3], sizes = [1], strides = [1]} : vector<16xf32> to vector<1xf32>
        %squeeze3A_461 = vector.extract %slice3A_460[0] : f32 from vector<1xf32>
        %add3A_462 = arith.constant 96 : i32
        %add3A_463 = arith.addi %add3A_61, %add3A_462 : i32
        %get3A_464 = arith.constant 3 : i32
        %get3A_465 = arith.index_cast %get3A_464 : i32 to index
        %get3A_466 = arith.index_cast %add3A_463 : i32 to index
        %get3A_467 = tpu.vector_load %arg5[%get3A_465, %get3A_466] {strides = array<i32>} : memref<8x4096xf32, #tpu.memory_space<vmem>>, vector<1x16xf32>,
        %get3A_468 = vector.shape_cast %get3A_467 : vector<1x16xf32> to vector<16xf32>
        %mul3A_469 = vector.broadcast %squeeze3A_461 : f32 to vector<16xf32>
        %mul3A_470 = arith.mulf %mul3A_469, %get3A_468 : vector<16xf32>
        %add3A_471 = arith.addf %add3A_375, %mul3A_470 : vector<16xf32>
        %slice3A_472 = vector.extract_strided_slice %get3A_28 {offsets = [3], sizes = [1], strides = [1]} : vector<16xf32> to vector<1xf32>
        %squeeze3A_473 = vector.extract %slice3A_472[0] : f32 from vector<1xf32>
        %add3A_474 = arith.constant 112 : i32
        %add3A_475 = arith.addi %add3A_61, %add3A_474 : i32
        %get3A_476 = arith.constant 3 : i32
        %get3A_477 = arith.index_cast %get3A_476 : i32 to index
        %get3A_478 = arith.index_cast %add3A_475 : i32 to index
        %get3A_479 = tpu.vector_load %arg5[%get3A_477, %get3A_478] {strides = array<i32>} : memref<8x4096xf32, #tpu.memory_space<vmem>>, vector<1x16xf32>,
        %get3A_480 = vector.shape_cast %get3A_479 : vector<1x16xf32> to vector<16xf32>
        %mul3A_481 = vector.broadcast %squeeze3A_473 : f32 to vector<16xf32>
        %mul3A_482 = arith.mulf %mul3A_481, %get3A_480 : vector<16xf32>
        %add3A_483 = arith.addf %add3A_387, %mul3A_482 : vector<16xf32>
        %slice3A_484 = vector.extract_strided_slice %get3A_28 {offsets = [4], sizes = [1], strides = [1]} : vector<16xf32> to vector<1xf32>
        %squeeze3A_485 = vector.extract %slice3A_484[0] : f32 from vector<1xf32>
        %add3A_486 = arith.constant 0 : i32
        %add3A_487 = arith.addi %add3A_61, %add3A_486 : i32
        %get3A_488 = arith.constant 4 : i32
        %get3A_489 = arith.index_cast %get3A_488 : i32 to index
        %get3A_490 = arith.index_cast %add3A_487 : i32 to index
        %get3A_491 = tpu.vector_load %arg5[%get3A_489, %get3A_490] {strides = array<i32>} : memref<8x4096xf32, #tpu.memory_space<vmem>>, vector<1x16xf32>,
        %get3A_492 = vector.shape_cast %get3A_491 : vector<1x16xf32> to vector<16xf32>
        %mul3A_493 = vector.broadcast %squeeze3A_485 : f32 to vector<16xf32>
        %mul3A_494 = arith.mulf %mul3A_493, %get3A_492 : vector<16xf32>
        %add3A_495 = arith.addf %add3A_399, %mul3A_494 : vector<16xf32>
        %slice3A_496 = vector.extract_strided_slice %get3A_28 {offsets = [4], sizes = [1], strides = [1]} : vector<16xf32> to vector<1xf32>
        %squeeze3A_497 = vector.extract %slice3A_496[0] : f32 from vector<1xf32>
        %add3A_498 = arith.constant 16 : i32
        %add3A_499 = arith.addi %add3A_61, %add3A_498 : i32
        %get3A_500 = arith.constant 4 : i32
        %get3A_501 = arith.index_cast %get3A_500 : i32 to index
        %get3A_502 = arith.index_cast %add3A_499 : i32 to index
        %get3A_503 = tpu.vector_load %arg5[%get3A_501, %get3A_502] {strides = array<i32>} : memref<8x4096xf32, #tpu.memory_space<vmem>>, vector<1x16xf32>,
        %get3A_504 = vector.shape_cast %get3A_503 : vector<1x16xf32> to vector<16xf32>
        %mul3A_505 = vector.broadcast %squeeze3A_497 : f32 to vector<16xf32>
        %mul3A_506 = arith.mulf %mul3A_505, %get3A_504 : vector<16xf32>
        %add3A_507 = arith.addf %add3A_411, %mul3A_506 : vector<16xf32>
        %slice3A_508 = vector.extract_strided_slice %get3A_28 {offsets = [4], sizes = [1], strides = [1]} : vector<16xf32> to vector<1xf32>
        %squeeze3A_509 = vector.extract %slice3A_508[0] : f32 from vector<1xf32>
        %add3A_510 = arith.constant 32 : i32
        %add3A_511 = arith.addi %add3A_61, %add3A_510 : i32
        %get3A_512 = arith.constant 4 : i32
        %get3A_513 = arith.index_cast %get3A_512 : i32 to index
        %get3A_514 = arith.index_cast %add3A_511 : i32 to index
        %get3A_515 = tpu.vector_load %arg5[%get3A_513, %get3A_514] {strides = array<i32>} : memref<8x4096xf32, #tpu.memory_space<vmem>>, vector<1x16xf32>,
        %get3A_516 = vector.shape_cast %get3A_515 : vector<1x16xf32> to vector<16xf32>
        %mul3A_517 = vector.broadcast %squeeze3A_509 : f32 to vector<16xf32>
        %mul3A_518 = arith.mulf %mul3A_517, %get3A_516 : vector<16xf32>
        %add3A_519 = arith.addf %add3A_423, %mul3A_518 : vector<16xf32>
        %slice3A_520 = vector.extract_strided_slice %get3A_28 {offsets = [4], sizes = [1], strides = [1]} : vector<16xf32> to vector<1xf32>
        %squeeze3A_521 = vector.extract %slice3A_520[0] : f32 from vector<1xf32>
        %add3A_522 = arith.constant 48 : i32
        %add3A_523 = arith.addi %add3A_61, %add3A_522 : i32
        %get3A_524 = arith.constant 4 : i32
        %get3A_525 = arith.index_cast %get3A_524 : i32 to index
        %get3A_526 = arith.index_cast %add3A_523 : i32 to index
        %get3A_527 = tpu.vector_load %arg5[%get3A_525, %get3A_526] {strides = array<i32>} : memref<8x4096xf32, #tpu.memory_space<vmem>>, vector<1x16xf32>,
        %get3A_528 = vector.shape_cast %get3A_527 : vector<1x16xf32> to vector<16xf32>
        %mul3A_529 = vector.broadcast %squeeze3A_521 : f32 to vector<16xf32>
        %mul3A_530 = arith.mulf %mul3A_529, %get3A_528 : vector<16xf32>
        %add3A_531 = arith.addf %add3A_435, %mul3A_530 : vector<16xf32>
        %slice3A_532 = vector.extract_strided_slice %get3A_28 {offsets = [4], sizes = [1], strides = [1]} : vector<16xf32> to vector<1xf32>
        %squeeze3A_533 = vector.extract %slice3A_532[0] : f32 from vector<1xf32>
        %add3A_534 = arith.constant 64 : i32
        %add3A_535 = arith.addi %add3A_61, %add3A_534 : i32
        %get3A_536 = arith.constant 4 : i32
        %get3A_537 = arith.index_cast %get3A_536 : i32 to index
        %get3A_538 = arith.index_cast %add3A_535 : i32 to index
        %get3A_539 = tpu.vector_load %arg5[%get3A_537, %get3A_538] {strides = array<i32>} : memref<8x4096xf32, #tpu.memory_space<vmem>>, vector<1x16xf32>,
        %get3A_540 = vector.shape_cast %get3A_539 : vector<1x16xf32> to vector<16xf32>
        %mul3A_541 = vector.broadcast %squeeze3A_533 : f32 to vector<16xf32>
        %mul3A_542 = arith.mulf %mul3A_541, %get3A_540 : vector<16xf32>
        %add3A_543 = arith.addf %add3A_447, %mul3A_542 : vector<16xf32>
        %slice3A_544 = vector.extract_strided_slice %get3A_28 {offsets = [4], sizes = [1], strides = [1]} : vector<16xf32> to vector<1xf32>
        %squeeze3A_545 = vector.extract %slice3A_544[0] : f32 from vector<1xf32>
        %add3A_546 = arith.constant 80 : i32
        %add3A_547 = arith.addi %add3A_61, %add3A_546 : i32
        %get3A_548 = arith.constant 4 : i32
        %get3A_549 = arith.index_cast %get3A_548 : i32 to index
        %get3A_550 = arith.index_cast %add3A_547 : i32 to index
        %get3A_551 = tpu.vector_load %arg5[%get3A_549, %get3A_550] {strides = array<i32>} : memref<8x4096xf32, #tpu.memory_space<vmem>>, vector<1x16xf32>,
        %get3A_552 = vector.shape_cast %get3A_551 : vector<1x16xf32> to vector<16xf32>
        %mul3A_553 = vector.broadcast %squeeze3A_545 : f32 to vector<16xf32>
        %mul3A_554 = arith.mulf %mul3A_553, %get3A_552 : vector<16xf32>
        %add3A_555 = arith.addf %add3A_459, %mul3A_554 : vector<16xf32>
        %slice3A_556 = vector.extract_strided_slice %get3A_28 {offsets = [4], sizes = [1], strides = [1]} : vector<16xf32> to vector<1xf32>
        %squeeze3A_557 = vector.extract %slice3A_556[0] : f32 from vector<1xf32>
        %add3A_558 = arith.constant 96 : i32
        %add3A_559 = arith.addi %add3A_61, %add3A_558 : i32
        %get3A_560 = arith.constant 4 : i32
        %get3A_561 = arith.index_cast %get3A_560 : i32 to index
        %get3A_562 = arith.index_cast %add3A_559 : i32 to index
        %get3A_563 = tpu.vector_load %arg5[%get3A_561, %get3A_562] {strides = array<i32>} : memref<8x4096xf32, #tpu.memory_space<vmem>>, vector<1x16xf32>,
        %get3A_564 = vector.shape_cast %get3A_563 : vector<1x16xf32> to vector<16xf32>
        %mul3A_565 = vector.broadcast %squeeze3A_557 : f32 to vector<16xf32>
        %mul3A_566 = arith.mulf %mul3A_565, %get3A_564 : vector<16xf32>
        %add3A_567 = arith.addf %add3A_471, %mul3A_566 : vector<16xf32>
        %slice3A_568 = vector.extract_strided_slice %get3A_28 {offsets = [4], sizes = [1], strides = [1]} : vector<16xf32> to vector<1xf32>
        %squeeze3A_569 = vector.extract %slice3A_568[0] : f32 from vector<1xf32>
        %add3A_570 = arith.constant 112 : i32
        %add3A_571 = arith.addi %add3A_61, %add3A_570 : i32
        %get3A_572 = arith.constant 4 : i32
        %get3A_573 = arith.index_cast %get3A_572 : i32 to index
        %get3A_574 = arith.index_cast %add3A_571 : i32 to index
        %get3A_575 = tpu.vector_load %arg5[%get3A_573, %get3A_574] {strides = array<i32>} : memref<8x4096xf32, #tpu.memory_space<vmem>>, vector<1x16xf32>,
        %get3A_576 = vector.shape_cast %get3A_575 : vector<1x16xf32> to vector<16xf32>
        %mul3A_577 = vector.broadcast %squeeze3A_569 : f32 to vector<16xf32>
        %mul3A_578 = arith.mulf %mul3A_577, %get3A_576 : vector<16xf32>
        %add3A_579 = arith.addf %add3A_483, %mul3A_578 : vector<16xf32>
        %slice3A_580 = vector.extract_strided_slice %get3A_28 {offsets = [5], sizes = [1], strides = [1]} : vector<16xf32> to vector<1xf32>
        %squeeze3A_581 = vector.extract %slice3A_580[0] : f32 from vector<1xf32>
        %add3A_582 = arith.constant 0 : i32
        %add3A_583 = arith.addi %add3A_61, %add3A_582 : i32
        %get3A_584 = arith.constant 5 : i32
        %get3A_585 = arith.index_cast %get3A_584 : i32 to index
        %get3A_586 = arith.index_cast %add3A_583 : i32 to index
        %get3A_587 = tpu.vector_load %arg5[%get3A_585, %get3A_586] {strides = array<i32>} : memref<8x4096xf32, #tpu.memory_space<vmem>>, vector<1x16xf32>,
        %get3A_588 = vector.shape_cast %get3A_587 : vector<1x16xf32> to vector<16xf32>
        %mul3A_589 = vector.broadcast %squeeze3A_581 : f32 to vector<16xf32>
        %mul3A_590 = arith.mulf %mul3A_589, %get3A_588 : vector<16xf32>
        %add3A_591 = arith.addf %add3A_495, %mul3A_590 : vector<16xf32>
        %slice3A_592 = vector.extract_strided_slice %get3A_28 {offsets = [5], sizes = [1], strides = [1]} : vector<16xf32> to vector<1xf32>
        %squeeze3A_593 = vector.extract %slice3A_592[0] : f32 from vector<1xf32>
        %add3A_594 = arith.constant 16 : i32
        %add3A_595 = arith.addi %add3A_61, %add3A_594 : i32
        %get3A_596 = arith.constant 5 : i32
        %get3A_597 = arith.index_cast %get3A_596 : i32 to index
        %get3A_598 = arith.index_cast %add3A_595 : i32 to index
        %get3A_599 = tpu.vector_load %arg5[%get3A_597, %get3A_598] {strides = array<i32>} : memref<8x4096xf32, #tpu.memory_space<vmem>>, vector<1x16xf32>,
        %get3A_600 = vector.shape_cast %get3A_599 : vector<1x16xf32> to vector<16xf32>
        %mul3A_601 = vector.broadcast %squeeze3A_593 : f32 to vector<16xf32>
        %mul3A_602 = arith.mulf %mul3A_601, %get3A_600 : vector<16xf32>
        %add3A_603 = arith.addf %add3A_507, %mul3A_602 : vector<16xf32>
        %slice3A_604 = vector.extract_strided_slice %get3A_28 {offsets = [5], sizes = [1], strides = [1]} : vector<16xf32> to vector<1xf32>
        %squeeze3A_605 = vector.extract %slice3A_604[0] : f32 from vector<1xf32>
        %add3A_606 = arith.constant 32 : i32
        %add3A_607 = arith.addi %add3A_61, %add3A_606 : i32
        %get3A_608 = arith.constant 5 : i32
        %get3A_609 = arith.index_cast %get3A_608 : i32 to index
        %get3A_610 = arith.index_cast %add3A_607 : i32 to index
        %get3A_611 = tpu.vector_load %arg5[%get3A_609, %get3A_610] {strides = array<i32>} : memref<8x4096xf32, #tpu.memory_space<vmem>>, vector<1x16xf32>,
        %get3A_612 = vector.shape_cast %get3A_611 : vector<1x16xf32> to vector<16xf32>
        %mul3A_613 = vector.broadcast %squeeze3A_605 : f32 to vector<16xf32>
        %mul3A_614 = arith.mulf %mul3A_613, %get3A_612 : vector<16xf32>
        %add3A_615 = arith.addf %add3A_519, %mul3A_614 : vector<16xf32>
        %slice3A_616 = vector.extract_strided_slice %get3A_28 {offsets = [5], sizes = [1], strides = [1]} : vector<16xf32> to vector<1xf32>
        %squeeze3A_617 = vector.extract %slice3A_616[0] : f32 from vector<1xf32>
        %add3A_618 = arith.constant 48 : i32
        %add3A_619 = arith.addi %add3A_61, %add3A_618 : i32
        %get3A_620 = arith.constant 5 : i32
        %get3A_621 = arith.index_cast %get3A_620 : i32 to index
        %get3A_622 = arith.index_cast %add3A_619 : i32 to index
        %get3A_623 = tpu.vector_load %arg5[%get3A_621, %get3A_622] {strides = array<i32>} : memref<8x4096xf32, #tpu.memory_space<vmem>>, vector<1x16xf32>,
        %get3A_624 = vector.shape_cast %get3A_623 : vector<1x16xf32> to vector<16xf32>
        %mul3A_625 = vector.broadcast %squeeze3A_617 : f32 to vector<16xf32>
        %mul3A_626 = arith.mulf %mul3A_625, %get3A_624 : vector<16xf32>
        %add3A_627 = arith.addf %add3A_531, %mul3A_626 : vector<16xf32>
        %slice3A_628 = vector.extract_strided_slice %get3A_28 {offsets = [5], sizes = [1], strides = [1]} : vector<16xf32> to vector<1xf32>
        %squeeze3A_629 = vector.extract %slice3A_628[0] : f32 from vector<1xf32>
        %add3A_630 = arith.constant 64 : i32
        %add3A_631 = arith.addi %add3A_61, %add3A_630 : i32
        %get3A_632 = arith.constant 5 : i32
        %get3A_633 = arith.index_cast %get3A_632 : i32 to index
        %get3A_634 = arith.index_cast %add3A_631 : i32 to index
        %get3A_635 = tpu.vector_load %arg5[%get3A_633, %get3A_634] {strides = array<i32>} : memref<8x4096xf32, #tpu.memory_space<vmem>>, vector<1x16xf32>,
        %get3A_636 = vector.shape_cast %get3A_635 : vector<1x16xf32> to vector<16xf32>
        %mul3A_637 = vector.broadcast %squeeze3A_629 : f32 to vector<16xf32>
        %mul3A_638 = arith.mulf %mul3A_637, %get3A_636 : vector<16xf32>
        %add3A_639 = arith.addf %add3A_543, %mul3A_638 : vector<16xf32>
        %slice3A_640 = vector.extract_strided_slice %get3A_28 {offsets = [5], sizes = [1], strides = [1]} : vector<16xf32> to vector<1xf32>
        %squeeze3A_641 = vector.extract %slice3A_640[0] : f32 from vector<1xf32>
        %add3A_642 = arith.constant 80 : i32
        %add3A_643 = arith.addi %add3A_61, %add3A_642 : i32
        %get3A_644 = arith.constant 5 : i32
        %get3A_645 = arith.index_cast %get3A_644 : i32 to index
        %get3A_646 = arith.index_cast %add3A_643 : i32 to index
        %get3A_647 = tpu.vector_load %arg5[%get3A_645, %get3A_646] {strides = array<i32>} : memref<8x4096xf32, #tpu.memory_space<vmem>>, vector<1x16xf32>,
        %get3A_648 = vector.shape_cast %get3A_647 : vector<1x16xf32> to vector<16xf32>
        %mul3A_649 = vector.broadcast %squeeze3A_641 : f32 to vector<16xf32>
        %mul3A_650 = arith.mulf %mul3A_649, %get3A_648 : vector<16xf32>
        %add3A_651 = arith.addf %add3A_555, %mul3A_650 : vector<16xf32>
        %slice3A_652 = vector.extract_strided_slice %get3A_28 {offsets = [5], sizes = [1], strides = [1]} : vector<16xf32> to vector<1xf32>
        %squeeze3A_653 = vector.extract %slice3A_652[0] : f32 from vector<1xf32>
        %add3A_654 = arith.constant 96 : i32
        %add3A_655 = arith.addi %add3A_61, %add3A_654 : i32
        %get3A_656 = arith.constant 5 : i32
        %get3A_657 = arith.index_cast %get3A_656 : i32 to index
        %get3A_658 = arith.index_cast %add3A_655 : i32 to index
        %get3A_659 = tpu.vector_load %arg5[%get3A_657, %get3A_658] {strides = array<i32>} : memref<8x4096xf32, #tpu.memory_space<vmem>>, vector<1x16xf32>,
        %get3A_660 = vector.shape_cast %get3A_659 : vector<1x16xf32> to vector<16xf32>
        %mul3A_661 = vector.broadcast %squeeze3A_653 : f32 to vector<16xf32>
        %mul3A_662 = arith.mulf %mul3A_661, %get3A_660 : vector<16xf32>
        %add3A_663 = arith.addf %add3A_567, %mul3A_662 : vector<16xf32>
        %slice3A_664 = vector.extract_strided_slice %get3A_28 {offsets = [5], sizes = [1], strides = [1]} : vector<16xf32> to vector<1xf32>
        %squeeze3A_665 = vector.extract %slice3A_664[0] : f32 from vector<1xf32>
        %add3A_666 = arith.constant 112 : i32
        %add3A_667 = arith.addi %add3A_61, %add3A_666 : i32
        %get3A_668 = arith.constant 5 : i32
        %get3A_669 = arith.index_cast %get3A_668 : i32 to index
        %get3A_670 = arith.index_cast %add3A_667 : i32 to index
        %get3A_671 = tpu.vector_load %arg5[%get3A_669, %get3A_670] {strides = array<i32>} : memref<8x4096xf32, #tpu.memory_space<vmem>>, vector<1x16xf32>,
        %get3A_672 = vector.shape_cast %get3A_671 : vector<1x16xf32> to vector<16xf32>
        %mul3A_673 = vector.broadcast %squeeze3A_665 : f32 to vector<16xf32>
        %mul3A_674 = arith.mulf %mul3A_673, %get3A_672 : vector<16xf32>
        %add3A_675 = arith.addf %add3A_579, %mul3A_674 : vector<16xf32>
        %slice3A_676 = vector.extract_strided_slice %get3A_28 {offsets = [6], sizes = [1], strides = [1]} : vector<16xf32> to vector<1xf32>
        %squeeze3A_677 = vector.extract %slice3A_676[0] : f32 from vector<1xf32>
        %add3A_678 = arith.constant 0 : i32
        %add3A_679 = arith.addi %add3A_61, %add3A_678 : i32
        %get3A_680 = arith.constant 6 : i32
        %get3A_681 = arith.index_cast %get3A_680 : i32 to index
        %get3A_682 = arith.index_cast %add3A_679 : i32 to index
        %get3A_683 = tpu.vector_load %arg5[%get3A_681, %get3A_682] {strides = array<i32>} : memref<8x4096xf32, #tpu.memory_space<vmem>>, vector<1x16xf32>,
        %get3A_684 = vector.shape_cast %get3A_683 : vector<1x16xf32> to vector<16xf32>
        %mul3A_685 = vector.broadcast %squeeze3A_677 : f32 to vector<16xf32>
        %mul3A_686 = arith.mulf %mul3A_685, %get3A_684 : vector<16xf32>
        %add3A_687 = arith.addf %add3A_591, %mul3A_686 : vector<16xf32>
        %slice3A_688 = vector.extract_strided_slice %get3A_28 {offsets = [6], sizes = [1], strides = [1]} : vector<16xf32> to vector<1xf32>
        %squeeze3A_689 = vector.extract %slice3A_688[0] : f32 from vector<1xf32>
        %add3A_690 = arith.constant 16 : i32
        %add3A_691 = arith.addi %add3A_61, %add3A_690 : i32
        %get3A_692 = arith.constant 6 : i32
        %get3A_693 = arith.index_cast %get3A_692 : i32 to index
        %get3A_694 = arith.index_cast %add3A_691 : i32 to index
        %get3A_695 = tpu.vector_load %arg5[%get3A_693, %get3A_694] {strides = array<i32>} : memref<8x4096xf32, #tpu.memory_space<vmem>>, vector<1x16xf32>,
        %get3A_696 = vector.shape_cast %get3A_695 : vector<1x16xf32> to vector<16xf32>
        %mul3A_697 = vector.broadcast %squeeze3A_689 : f32 to vector<16xf32>
        %mul3A_698 = arith.mulf %mul3A_697, %get3A_696 : vector<16xf32>
        %add3A_699 = arith.addf %add3A_603, %mul3A_698 : vector<16xf32>
        %slice3A_700 = vector.extract_strided_slice %get3A_28 {offsets = [6], sizes = [1], strides = [1]} : vector<16xf32> to vector<1xf32>
        %squeeze3A_701 = vector.extract %slice3A_700[0] : f32 from vector<1xf32>
        %add3A_702 = arith.constant 32 : i32
        %add3A_703 = arith.addi %add3A_61, %add3A_702 : i32
        %get3A_704 = arith.constant 6 : i32
        %get3A_705 = arith.index_cast %get3A_704 : i32 to index
        %get3A_706 = arith.index_cast %add3A_703 : i32 to index
        %get3A_707 = tpu.vector_load %arg5[%get3A_705, %get3A_706] {strides = array<i32>} : memref<8x4096xf32, #tpu.memory_space<vmem>>, vector<1x16xf32>,
        %get3A_708 = vector.shape_cast %get3A_707 : vector<1x16xf32> to vector<16xf32>
        %mul3A_709 = vector.broadcast %squeeze3A_701 : f32 to vector<16xf32>
        %mul3A_710 = arith.mulf %mul3A_709, %get3A_708 : vector<16xf32>
        %add3A_711 = arith.addf %add3A_615, %mul3A_710 : vector<16xf32>
        %slice3A_712 = vector.extract_strided_slice %get3A_28 {offsets = [6], sizes = [1], strides = [1]} : vector<16xf32> to vector<1xf32>
        %squeeze3A_713 = vector.extract %slice3A_712[0] : f32 from vector<1xf32>
        %add3A_714 = arith.constant 48 : i32
        %add3A_715 = arith.addi %add3A_61, %add3A_714 : i32
        %get3A_716 = arith.constant 6 : i32
        %get3A_717 = arith.index_cast %get3A_716 : i32 to index
        %get3A_718 = arith.index_cast %add3A_715 : i32 to index
        %get3A_719 = tpu.vector_load %arg5[%get3A_717, %get3A_718] {strides = array<i32>} : memref<8x4096xf32, #tpu.memory_space<vmem>>, vector<1x16xf32>,
        %get3A_720 = vector.shape_cast %get3A_719 : vector<1x16xf32> to vector<16xf32>
        %mul3A_721 = vector.broadcast %squeeze3A_713 : f32 to vector<16xf32>
        %mul3A_722 = arith.mulf %mul3A_721, %get3A_720 : vector<16xf32>
        %add3A_723 = arith.addf %add3A_627, %mul3A_722 : vector<16xf32>
        %slice3A_724 = vector.extract_strided_slice %get3A_28 {offsets = [6], sizes = [1], strides = [1]} : vector<16xf32> to vector<1xf32>
        %squeeze3A_725 = vector.extract %slice3A_724[0] : f32 from vector<1xf32>
        %add3A_726 = arith.constant 64 : i32
        %add3A_727 = arith.addi %add3A_61, %add3A_726 : i32
        %get3A_728 = arith.constant 6 : i32
        %get3A_729 = arith.index_cast %get3A_728 : i32 to index
        %get3A_730 = arith.index_cast %add3A_727 : i32 to index
        %get3A_731 = tpu.vector_load %arg5[%get3A_729, %get3A_730] {strides = array<i32>} : memref<8x4096xf32, #tpu.memory_space<vmem>>, vector<1x16xf32>,
        %get3A_732 = vector.shape_cast %get3A_731 : vector<1x16xf32> to vector<16xf32>
        %mul3A_733 = vector.broadcast %squeeze3A_725 : f32 to vector<16xf32>
        %mul3A_734 = arith.mulf %mul3A_733, %get3A_732 : vector<16xf32>
        %add3A_735 = arith.addf %add3A_639, %mul3A_734 : vector<16xf32>
        %slice3A_736 = vector.extract_strided_slice %get3A_28 {offsets = [6], sizes = [1], strides = [1]} : vector<16xf32> to vector<1xf32>
        %squeeze3A_737 = vector.extract %slice3A_736[0] : f32 from vector<1xf32>
        %add3A_738 = arith.constant 80 : i32
        %add3A_739 = arith.addi %add3A_61, %add3A_738 : i32
        %get3A_740 = arith.constant 6 : i32
        %get3A_741 = arith.index_cast %get3A_740 : i32 to index
        %get3A_742 = arith.index_cast %add3A_739 : i32 to index
        %get3A_743 = tpu.vector_load %arg5[%get3A_741, %get3A_742] {strides = array<i32>} : memref<8x4096xf32, #tpu.memory_space<vmem>>, vector<1x16xf32>,
        %get3A_744 = vector.shape_cast %get3A_743 : vector<1x16xf32> to vector<16xf32>
        %mul3A_745 = vector.broadcast %squeeze3A_737 : f32 to vector<16xf32>
        %mul3A_746 = arith.mulf %mul3A_745, %get3A_744 : vector<16xf32>
        %add3A_747 = arith.addf %add3A_651, %mul3A_746 : vector<16xf32>
        %slice3A_748 = vector.extract_strided_slice %get3A_28 {offsets = [6], sizes = [1], strides = [1]} : vector<16xf32> to vector<1xf32>
        %squeeze3A_749 = vector.extract %slice3A_748[0] : f32 from vector<1xf32>
        %add3A_750 = arith.constant 96 : i32
        %add3A_751 = arith.addi %add3A_61, %add3A_750 : i32
        %get3A_752 = arith.constant 6 : i32
        %get3A_753 = arith.index_cast %get3A_752 : i32 to index
        %get3A_754 = arith.index_cast %add3A_751 : i32 to index
        %get3A_755 = tpu.vector_load %arg5[%get3A_753, %get3A_754] {strides = array<i32>} : memref<8x4096xf32, #tpu.memory_space<vmem>>, vector<1x16xf32>,
        %get3A_756 = vector.shape_cast %get3A_755 : vector<1x16xf32> to vector<16xf32>
        %mul3A_757 = vector.broadcast %squeeze3A_749 : f32 to vector<16xf32>
        %mul3A_758 = arith.mulf %mul3A_757, %get3A_756 : vector<16xf32>
        %add3A_759 = arith.addf %add3A_663, %mul3A_758 : vector<16xf32>
        %slice3A_760 = vector.extract_strided_slice %get3A_28 {offsets = [6], sizes = [1], strides = [1]} : vector<16xf32> to vector<1xf32>
        %squeeze3A_761 = vector.extract %slice3A_760[0] : f32 from vector<1xf32>
        %add3A_762 = arith.constant 112 : i32
        %add3A_763 = arith.addi %add3A_61, %add3A_762 : i32
        %get3A_764 = arith.constant 6 : i32
        %get3A_765 = arith.index_cast %get3A_764 : i32 to index
        %get3A_766 = arith.index_cast %add3A_763 : i32 to index
        %get3A_767 = tpu.vector_load %arg5[%get3A_765, %get3A_766] {strides = array<i32>} : memref<8x4096xf32, #tpu.memory_space<vmem>>, vector<1x16xf32>,
        %get3A_768 = vector.shape_cast %get3A_767 : vector<1x16xf32> to vector<16xf32>
        %mul3A_769 = vector.broadcast %squeeze3A_761 : f32 to vector<16xf32>
        %mul3A_770 = arith.mulf %mul3A_769, %get3A_768 : vector<16xf32>
        %add3A_771 = arith.addf %add3A_675, %mul3A_770 : vector<16xf32>
        %slice3A_772 = vector.extract_strided_slice %get3A_28 {offsets = [7], sizes = [1], strides = [1]} : vector<16xf32> to vector<1xf32>
        %squeeze3A_773 = vector.extract %slice3A_772[0] : f32 from vector<1xf32>
        %add3A_774 = arith.constant 0 : i32
        %add3A_775 = arith.addi %add3A_61, %add3A_774 : i32
        %get3A_776 = arith.constant 7 : i32
        %get3A_777 = arith.index_cast %get3A_776 : i32 to index
        %get3A_778 = arith.index_cast %add3A_775 : i32 to index
        %get3A_779 = tpu.vector_load %arg5[%get3A_777, %get3A_778] {strides = array<i32>} : memref<8x4096xf32, #tpu.memory_space<vmem>>, vector<1x16xf32>,
        %get3A_780 = vector.shape_cast %get3A_779 : vector<1x16xf32> to vector<16xf32>
        %mul3A_781 = vector.broadcast %squeeze3A_773 : f32 to vector<16xf32>
        %mul3A_782 = arith.mulf %mul3A_781, %get3A_780 : vector<16xf32>
        %add3A_783 = arith.addf %add3A_687, %mul3A_782 : vector<16xf32>
        %slice3A_784 = vector.extract_strided_slice %get3A_28 {offsets = [7], sizes = [1], strides = [1]} : vector<16xf32> to vector<1xf32>
        %squeeze3A_785 = vector.extract %slice3A_784[0] : f32 from vector<1xf32>
        %add3A_786 = arith.constant 16 : i32
        %add3A_787 = arith.addi %add3A_61, %add3A_786 : i32
        %get3A_788 = arith.constant 7 : i32
        %get3A_789 = arith.index_cast %get3A_788 : i32 to index
        %get3A_790 = arith.index_cast %add3A_787 : i32 to index
        %get3A_791 = tpu.vector_load %arg5[%get3A_789, %get3A_790] {strides = array<i32>} : memref<8x4096xf32, #tpu.memory_space<vmem>>, vector<1x16xf32>,
        %get3A_792 = vector.shape_cast %get3A_791 : vector<1x16xf32> to vector<16xf32>
        %mul3A_793 = vector.broadcast %squeeze3A_785 : f32 to vector<16xf32>
        %mul3A_794 = arith.mulf %mul3A_793, %get3A_792 : vector<16xf32>
        %add3A_795 = arith.addf %add3A_699, %mul3A_794 : vector<16xf32>
        %slice3A_796 = vector.extract_strided_slice %get3A_28 {offsets = [7], sizes = [1], strides = [1]} : vector<16xf32> to vector<1xf32>
        %squeeze3A_797 = vector.extract %slice3A_796[0] : f32 from vector<1xf32>
        %add3A_798 = arith.constant 32 : i32
        %add3A_799 = arith.addi %add3A_61, %add3A_798 : i32
        %get3A_800 = arith.constant 7 : i32
        %get3A_801 = arith.index_cast %get3A_800 : i32 to index
        %get3A_802 = arith.index_cast %add3A_799 : i32 to index
        %get3A_803 = tpu.vector_load %arg5[%get3A_801, %get3A_802] {strides = array<i32>} : memref<8x4096xf32, #tpu.memory_space<vmem>>, vector<1x16xf32>,
        %get3A_804 = vector.shape_cast %get3A_803 : vector<1x16xf32> to vector<16xf32>
        %mul3A_805 = vector.broadcast %squeeze3A_797 : f32 to vector<16xf32>
        %mul3A_806 = arith.mulf %mul3A_805, %get3A_804 : vector<16xf32>
        %add3A_807 = arith.addf %add3A_711, %mul3A_806 : vector<16xf32>
        %slice3A_808 = vector.extract_strided_slice %get3A_28 {offsets = [7], sizes = [1], strides = [1]} : vector<16xf32> to vector<1xf32>
        %squeeze3A_809 = vector.extract %slice3A_808[0] : f32 from vector<1xf32>
        %add3A_810 = arith.constant 48 : i32
        %add3A_811 = arith.addi %add3A_61, %add3A_810 : i32
        %get3A_812 = arith.constant 7 : i32
        %get3A_813 = arith.index_cast %get3A_812 : i32 to index
        %get3A_814 = arith.index_cast %add3A_811 : i32 to index
        %get3A_815 = tpu.vector_load %arg5[%get3A_813, %get3A_814] {strides = array<i32>} : memref<8x4096xf32, #tpu.memory_space<vmem>>, vector<1x16xf32>,
        %get3A_816 = vector.shape_cast %get3A_815 : vector<1x16xf32> to vector<16xf32>
        %mul3A_817 = vector.broadcast %squeeze3A_809 : f32 to vector<16xf32>
        %mul3A_818 = arith.mulf %mul3A_817, %get3A_816 : vector<16xf32>
        %add3A_819 = arith.addf %add3A_723, %mul3A_818 : vector<16xf32>
        %slice3A_820 = vector.extract_strided_slice %get3A_28 {offsets = [7], sizes = [1], strides = [1]} : vector<16xf32> to vector<1xf32>
        %squeeze3A_821 = vector.extract %slice3A_820[0] : f32 from vector<1xf32>
        %add3A_822 = arith.constant 64 : i32
        %add3A_823 = arith.addi %add3A_61, %add3A_822 : i32
        %get3A_824 = arith.constant 7 : i32
        %get3A_825 = arith.index_cast %get3A_824 : i32 to index
        %get3A_826 = arith.index_cast %add3A_823 : i32 to index
        %get3A_827 = tpu.vector_load %arg5[%get3A_825, %get3A_826] {strides = array<i32>} : memref<8x4096xf32, #tpu.memory_space<vmem>>, vector<1x16xf32>,
        %get3A_828 = vector.shape_cast %get3A_827 : vector<1x16xf32> to vector<16xf32>
        %mul3A_829 = vector.broadcast %squeeze3A_821 : f32 to vector<16xf32>
        %mul3A_830 = arith.mulf %mul3A_829, %get3A_828 : vector<16xf32>
        %add3A_831 = arith.addf %add3A_735, %mul3A_830 : vector<16xf32>
        %slice3A_832 = vector.extract_strided_slice %get3A_28 {offsets = [7], sizes = [1], strides = [1]} : vector<16xf32> to vector<1xf32>
        %squeeze3A_833 = vector.extract %slice3A_832[0] : f32 from vector<1xf32>
        %add3A_834 = arith.constant 80 : i32
        %add3A_835 = arith.addi %add3A_61, %add3A_834 : i32
        %get3A_836 = arith.constant 7 : i32
        %get3A_837 = arith.index_cast %get3A_836 : i32 to index
        %get3A_838 = arith.index_cast %add3A_835 : i32 to index
        %get3A_839 = tpu.vector_load %arg5[%get3A_837, %get3A_838] {strides = array<i32>} : memref<8x4096xf32, #tpu.memory_space<vmem>>, vector<1x16xf32>,
        %get3A_840 = vector.shape_cast %get3A_839 : vector<1x16xf32> to vector<16xf32>
        %mul3A_841 = vector.broadcast %squeeze3A_833 : f32 to vector<16xf32>
        %mul3A_842 = arith.mulf %mul3A_841, %get3A_840 : vector<16xf32>
        %add3A_843 = arith.addf %add3A_747, %mul3A_842 : vector<16xf32>
        %slice3A_844 = vector.extract_strided_slice %get3A_28 {offsets = [7], sizes = [1], strides = [1]} : vector<16xf32> to vector<1xf32>
        %squeeze3A_845 = vector.extract %slice3A_844[0] : f32 from vector<1xf32>
        %add3A_846 = arith.constant 96 : i32
        %add3A_847 = arith.addi %add3A_61, %add3A_846 : i32
        %get3A_848 = arith.constant 7 : i32
        %get3A_849 = arith.index_cast %get3A_848 : i32 to index
        %get3A_850 = arith.index_cast %add3A_847 : i32 to index
        %get3A_851 = tpu.vector_load %arg5[%get3A_849, %get3A_850] {strides = array<i32>} : memref<8x4096xf32, #tpu.memory_space<vmem>>, vector<1x16xf32>,
        %get3A_852 = vector.shape_cast %get3A_851 : vector<1x16xf32> to vector<16xf32>
        %mul3A_853 = vector.broadcast %squeeze3A_845 : f32 to vector<16xf32>
        %mul3A_854 = arith.mulf %mul3A_853, %get3A_852 : vector<16xf32>
        %add3A_855 = arith.addf %add3A_759, %mul3A_854 : vector<16xf32>
        %slice3A_856 = vector.extract_strided_slice %get3A_28 {offsets = [7], sizes = [1], strides = [1]} : vector<16xf32> to vector<1xf32>
        %squeeze3A_857 = vector.extract %slice3A_856[0] : f32 from vector<1xf32>
        %add3A_858 = arith.constant 112 : i32
        %add3A_859 = arith.addi %add3A_61, %add3A_858 : i32
        %get3A_860 = arith.constant 7 : i32
        %get3A_861 = arith.index_cast %get3A_860 : i32 to index
        %get3A_862 = arith.index_cast %add3A_859 : i32 to index
        %get3A_863 = tpu.vector_load %arg5[%get3A_861, %get3A_862] {strides = array<i32>} : memref<8x4096xf32, #tpu.memory_space<vmem>>, vector<1x16xf32>,
        %get3A_864 = vector.shape_cast %get3A_863 : vector<1x16xf32> to vector<16xf32>
        %mul3A_865 = vector.broadcast %squeeze3A_857 : f32 to vector<16xf32>
        %mul3A_866 = arith.mulf %mul3A_865, %get3A_864 : vector<16xf32>
        %add3A_867 = arith.addf %add3A_771, %mul3A_866 : vector<16xf32>
        %add3A_868 = arith.constant 0 : i32
        %add3A_869 = arith.addi %add3A_61, %add3A_868 : i32
        %swap3A = arith.index_cast %add3A_869 : i32 to index
        %swap3A_870 = tpu.vector_load %arg8[%swap3A] {strides = array<i32>} : memref<4096xf32, #tpu.memory_space<vmem>>, vector<16xf32>,
        %swap3A_871 = vector.shape_cast %swap3A_870 : vector<16xf32> to vector<16xf32>
        %swap3A_872 = vector.shape_cast %add3A_783 : vector<16xf32> to vector<16xf32>
        tpu.vector_store %arg8[%swap3A], %swap3A_872 {strides = array<i32>} : memref<4096xf32, #tpu.memory_space<vmem>>, vector<16xf32>,
        %add3A_873 = arith.constant 16 : i32
        %add3A_874 = arith.addi %add3A_61, %add3A_873 : i32
        %swap3A_875 = arith.index_cast %add3A_874 : i32 to index
        %swap3A_876 = tpu.vector_load %arg8[%swap3A_875] {strides = array<i32>} : memref<4096xf32, #tpu.memory_space<vmem>>, vector<16xf32>,
        %swap3A_877 = vector.shape_cast %swap3A_876 : vector<16xf32> to vector<16xf32>
        %swap3A_878 = vector.shape_cast %add3A_795 : vector<16xf32> to vector<16xf32>
        tpu.vector_store %arg8[%swap3A_875], %swap3A_878 {strides = array<i32>} : memref<4096xf32, #tpu.memory_space<vmem>>, vector<16xf32>,
        %add3A_879 = arith.constant 32 : i32
        %add3A_880 = arith.addi %add3A_61, %add3A_879 : i32
        %swap3A_881 = arith.index_cast %add3A_880 : i32 to index
        %swap3A_882 = tpu.vector_load %arg8[%swap3A_881] {strides = array<i32>} : memref<4096xf32, #tpu.memory_space<vmem>>, vector<16xf32>,
        %swap3A_883 = vector.shape_cast %swap3A_882 : vector<16xf32> to vector<16xf32>
        %swap3A_884 = vector.shape_cast %add3A_807 : vector<16xf32> to vector<16xf32>
        tpu.vector_store %arg8[%swap3A_881], %swap3A_884 {strides = array<i32>} : memref<4096xf32, #tpu.memory_space<vmem>>, vector<16xf32>,
        %add3A_885 = arith.constant 48 : i32
        %add3A_886 = arith.addi %add3A_61, %add3A_885 : i32
        %swap3A_887 = arith.index_cast %add3A_886 : i32 to index
        %swap3A_888 = tpu.vector_load %arg8[%swap3A_887] {strides = array<i32>} : memref<4096xf32, #tpu.memory_space<vmem>>, vector<16xf32>,
        %swap3A_889 = vector.shape_cast %swap3A_888 : vector<16xf32> to vector<16xf32>
        %swap3A_890 = vector.shape_cast %add3A_819 : vector<16xf32> to vector<16xf32>
        tpu.vector_store %arg8[%swap3A_887], %swap3A_890 {strides = array<i32>} : memref<4096xf32, #tpu.memory_space<vmem>>, vector<16xf32>,
        %add3A_891 = arith.constant 64 : i32
        %add3A_892 = arith.addi %add3A_61, %add3A_891 : i32
        %swap3A_893 = arith.index_cast %add3A_892 : i32 to index
        %swap3A_894 = tpu.vector_load %arg8[%swap3A_893] {strides = array<i32>} : memref<4096xf32, #tpu.memory_space<vmem>>, vector<16xf32>,
        %swap3A_895 = vector.shape_cast %swap3A_894 : vector<16xf32> to vector<16xf32>
        %swap3A_896 = vector.shape_cast %add3A_831 : vector<16xf32> to vector<16xf32>
        tpu.vector_store %arg8[%swap3A_893], %swap3A_896 {strides = array<i32>} : memref<4096xf32, #tpu.memory_space<vmem>>, vector<16xf32>,
        %add3A_897 = arith.constant 80 : i32
        %add3A_898 = arith.addi %add3A_61, %add3A_897 : i32
        %swap3A_899 = arith.index_cast %add3A_898 : i32 to index
        %swap3A_900 = tpu.vector_load %arg8[%swap3A_899] {strides = array<i32>} : memref<4096xf32, #tpu.memory_space<vmem>>, vector<16xf32>,
        %swap3A_901 = vector.shape_cast %swap3A_900 : vector<16xf32> to vector<16xf32>
        %swap3A_902 = vector.shape_cast %add3A_843 : vector<16xf32> to vector<16xf32>
        tpu.vector_store %arg8[%swap3A_899], %swap3A_902 {strides = array<i32>} : memref<4096xf32, #tpu.memory_space<vmem>>, vector<16xf32>,
        %add3A_903 = arith.constant 96 : i32
        %add3A_904 = arith.addi %add3A_61, %add3A_903 : i32
        %swap3A_905 = arith.index_cast %add3A_904 : i32 to index
        %swap3A_906 = tpu.vector_load %arg8[%swap3A_905] {strides = array<i32>} : memref<4096xf32, #tpu.memory_space<vmem>>, vector<16xf32>,
        %swap3A_907 = vector.shape_cast %swap3A_906 : vector<16xf32> to vector<16xf32>
        %swap3A_908 = vector.shape_cast %add3A_855 : vector<16xf32> to vector<16xf32>
        tpu.vector_store %arg8[%swap3A_905], %swap3A_908 {strides = array<i32>} : memref<4096xf32, #tpu.memory_space<vmem>>, vector<16xf32>,
        %add3A_909 = arith.constant 112 : i32
        %add3A_910 = arith.addi %add3A_61, %add3A_909 : i32
        %swap3A_911 = arith.index_cast %add3A_910 : i32 to index
        %swap3A_912 = tpu.vector_load %arg8[%swap3A_911] {strides = array<i32>} : memref<4096xf32, #tpu.memory_space<vmem>>, vector<16xf32>,
        %swap3A_913 = vector.shape_cast %swap3A_912 : vector<16xf32> to vector<16xf32>
        %swap3A_914 = vector.shape_cast %add3A_867 : vector<16xf32> to vector<16xf32>
        tpu.vector_store %arg8[%swap3A_911], %swap3A_914 {strides = array<i32>} : memref<4096xf32, #tpu.memory_space<vmem>>, vector<16xf32>,
      }
      %scan3A_43 = arith.constant 32 : i32
      %add3A_44 = arith.constant 16 : i32
      %add3A_45 = arith.addi %add3A_26, %add3A_44 : i32
      %lt3A = arith.constant 48 : i32
      %lt3A_46 = arith.cmpi slt, %add3A_45, %lt3A : i32
      %convert_element_type3A = arith.extui %lt3A_46 : i1 to i32
      %cond3A = arith.constant 0 : i32
      %cond3A_47 = arith.cmpi ne, %convert_element_type3A, %cond3A : i32
      scf.if %cond3A_47 {
        %add3A_57 = arith.addi %add3A_4, %add3A_26 : i32
        %add3A_58 = arith.constant 16 : i32
        %add3A_59 = arith.addi %add3A_57, %add3A_58 : i32
        %dma_start3A_60 = arith.constant 0 : i32
        %dma_start3A_61 = tpu.memref_slice %arg2[%add3A_59, %dma_start3A_60] : memref<4096x4096xf32, #tpu.memory_space<hbm>> -> memref<8x4096xf32, #tpu.memory_space<hbm>>
        %dma_start3A_62 = arith.constant 0 : i32
        %dma_start3A_63 = tpu.memref_slice %arg2[%add3A_59, %dma_start3A_62] : memref<4096x4096xf32, #tpu.memory_space<hbm>> -> memref<8x4096xf32, #tpu.memory_space<hbm>>
        tpu.enqueue_dma source(%dma_start3A_63 : memref<8x4096xf32, #tpu.memory_space<hbm>>) target(%arg5 : memref<8x4096xf32, #tpu.memory_space<vmem>>) target_semaphore(%arg9 : memref<!tpu.dma_semaphore, #tpu.memory_space<semaphore_mem>>)
      } else {
      }
      %dma_wait3A_48 = arith.constant 0 : i32
      %dma_wait3A_49 = tpu.memref_slice %arg2[%add3A_4, %dma_wait3A_48] : memref<4096x4096xf32, #tpu.memory_space<hbm>> -> memref<8x4096xf32, #tpu.memory_space<hbm>>
      %dma_wait3A_50 = arith.constant 0 : i32
      %dma_wait3A_51 = tpu.memref_slice %arg2[%add3A_4, %dma_wait3A_50] : memref<4096x4096xf32, #tpu.memory_space<hbm>> -> memref<8x4096xf32, #tpu.memory_space<hbm>>
      tpu.wait_dma2 semaphore(%arg10 : memref<!tpu.dma_semaphore, #tpu.memory_space<semaphore_mem>>) src(%dma_wait3A_51 : memref<8x4096xf32, #tpu.memory_space<hbm>>) dst(%arg6 : memref<8x4096xf32, #tpu.memory_space<vmem>>)
      %scan3A_52 = arith.constant 0 : i32
      %scan3A_53 = arith.constant 32 : i32
      %scan3A_54 = arith.addi %scan3A_52, %scan3A_53 : i32
      %scan3A_55 = arith.constant 1 : i32
      scf.for %scan3A_57 = %scan3A_52 to %scan3A_54 step %scan3A_55  : i32 {
        %mul3A_58 = arith.constant 128 : i32
        %mul3A_59 = arith.muli %scan3A_57, %mul3A_58 : i32
        %add3A_60 = arith.constant 0 : i32
        %add3A_61 = arith.addi %add3A_60, %mul3A_59 : i32
        %add3A_62 = arith.constant 0 : i32
        %add3A_63 = arith.addi %add3A_61, %add3A_62 : i32
        %get3A_64 = arith.index_cast %add3A_63 : i32 to index
        %get3A_65 = tpu.vector_load %arg8[%get3A_64] {strides = array<i32>} : memref<4096xf32, #tpu.memory_space<vmem>>, vector<16xf32>,
        %get3A_66 = vector.shape_cast %get3A_65 : vector<16xf32> to vector<16xf32>
        %add3A_67 = arith.constant 16 : i32
        %add3A_68 = arith.addi %add3A_61, %add3A_67 : i32
        %get3A_69 = arith.index_cast %add3A_68 : i32 to index
        %get3A_70 = tpu.vector_load %arg8[%get3A_69] {strides = array<i32>} : memref<4096xf32, #tpu.memory_space<vmem>>, vector<16xf32>,
        %get3A_71 = vector.shape_cast %get3A_70 : vector<16xf32> to vector<16xf32>
        %add3A_72 = arith.constant 32 : i32
        %add3A_73 = arith.addi %add3A_61, %add3A_72 : i32
        %get3A_74 = arith.index_cast %add3A_73 : i32 to index
        %get3A_75 = tpu.vector_load %arg8[%get3A_74] {strides = array<i32>} : memref<4096xf32, #tpu.memory_space<vmem>>, vector<16xf32>,
        %get3A_76 = vector.shape_cast %get3A_75 : vector<16xf32> to vector<16xf32>
        %add3A_77 = arith.constant 48 : i32
        %add3A_78 = arith.addi %add3A_61, %add3A_77 : i32
        %get3A_79 = arith.index_cast %add3A_78 : i32 to index
        %get3A_80 = tpu.vector_load %arg8[%get3A_79] {strides = array<i32>} : memref<4096xf32, #tpu.memory_space<vmem>>, vector<16xf32>,
        %get3A_81 = vector.shape_cast %get3A_80 : vector<16xf32> to vector<16xf32>
        %add3A_82 = arith.constant 64 : i32
        %add3A_83 = arith.addi %add3A_61, %add3A_82 : i32
        %get3A_84 = arith.index_cast %add3A_83 : i32 to index
        %get3A_85 = tpu.vector_load %arg8[%get3A_84] {strides = array<i32>} : memref<4096xf32, #tpu.memory_space<vmem>>, vector<16xf32>,
        %get3A_86 = vector.shape_cast %get3A_85 : vector<16xf32> to vector<16xf32>
        %add3A_87 = arith.constant 80 : i32
        %add3A_88 = arith.addi %add3A_61, %add3A_87 : i32
        %get3A_89 = arith.index_cast %add3A_88 : i32 to index
        %get3A_90 = tpu.vector_load %arg8[%get3A_89] {strides = array<i32>} : memref<4096xf32, #tpu.memory_space<vmem>>, vector<16xf32>,
        %get3A_91 = vector.shape_cast %get3A_90 : vector<16xf32> to vector<16xf32>
        %add3A_92 = arith.constant 96 : i32
        %add3A_93 = arith.addi %add3A_61, %add3A_92 : i32
        %get3A_94 = arith.index_cast %add3A_93 : i32 to index
        %get3A_95 = tpu.vector_load %arg8[%get3A_94] {strides = array<i32>} : memref<4096xf32, #tpu.memory_space<vmem>>, vector<16xf32>,
        %get3A_96 = vector.shape_cast %get3A_95 : vector<16xf32> to vector<16xf32>
        %add3A_97 = arith.constant 112 : i32
        %add3A_98 = arith.addi %add3A_61, %add3A_97 : i32
        %get3A_99 = arith.index_cast %add3A_98 : i32 to index
        %get3A_100 = tpu.vector_load %arg8[%get3A_99] {strides = array<i32>} : memref<4096xf32, #tpu.memory_space<vmem>>, vector<16xf32>,
        %get3A_101 = vector.shape_cast %get3A_100 : vector<16xf32> to vector<16xf32>
        %slice3A = vector.extract_strided_slice %get3A_28 {offsets = [8], sizes = [1], strides = [1]} : vector<16xf32> to vector<1xf32>
        %squeeze3A = vector.extract %slice3A[0] : f32 from vector<1xf32>
        %add3A_102 = arith.constant 0 : i32
        %add3A_103 = arith.addi %add3A_61, %add3A_102 : i32
        %get3A_104 = arith.constant 0 : i32
        %get3A_105 = arith.index_cast %get3A_104 : i32 to index
        %get3A_106 = arith.index_cast %add3A_103 : i32 to index
        %get3A_107 = tpu.vector_load %arg6[%get3A_105, %get3A_106] {strides = array<i32>} : memref<8x4096xf32, #tpu.memory_space<vmem>>, vector<1x16xf32>,
        %get3A_108 = vector.shape_cast %get3A_107 : vector<1x16xf32> to vector<16xf32>
        %mul3A_109 = vector.broadcast %squeeze3A : f32 to vector<16xf32>
        %mul3A_110 = arith.mulf %mul3A_109, %get3A_108 : vector<16xf32>
        %add3A_111 = arith.addf %get3A_66, %mul3A_110 : vector<16xf32>
        %slice3A_112 = vector.extract_strided_slice %get3A_28 {offsets = [8], sizes = [1], strides = [1]} : vector<16xf32> to vector<1xf32>
        %squeeze3A_113 = vector.extract %slice3A_112[0] : f32 from vector<1xf32>
        %add3A_114 = arith.constant 16 : i32
        %add3A_115 = arith.addi %add3A_61, %add3A_114 : i32
        %get3A_116 = arith.constant 0 : i32
        %get3A_117 = arith.index_cast %get3A_116 : i32 to index
        %get3A_118 = arith.index_cast %add3A_115 : i32 to index
        %get3A_119 = tpu.vector_load %arg6[%get3A_117, %get3A_118] {strides = array<i32>} : memref<8x4096xf32, #tpu.memory_space<vmem>>, vector<1x16xf32>,
        %get3A_120 = vector.shape_cast %get3A_119 : vector<1x16xf32> to vector<16xf32>
        %mul3A_121 = vector.broadcast %squeeze3A_113 : f32 to vector<16xf32>
        %mul3A_122 = arith.mulf %mul3A_121, %get3A_120 : vector<16xf32>
        %add3A_123 = arith.addf %get3A_71, %mul3A_122 : vector<16xf32>
        %slice3A_124 = vector.extract_strided_slice %get3A_28 {offsets = [8], sizes = [1], strides = [1]} : vector<16xf32> to vector<1xf32>
        %squeeze3A_125 = vector.extract %slice3A_124[0] : f32 from vector<1xf32>
        %add3A_126 = arith.constant 32 : i32
        %add3A_127 = arith.addi %add3A_61, %add3A_126 : i32
        %get3A_128 = arith.constant 0 : i32
        %get3A_129 = arith.index_cast %get3A_128 : i32 to index
        %get3A_130 = arith.index_cast %add3A_127 : i32 to index
        %get3A_131 = tpu.vector_load %arg6[%get3A_129, %get3A_130] {strides = array<i32>} : memref<8x4096xf32, #tpu.memory_space<vmem>>, vector<1x16xf32>,
        %get3A_132 = vector.shape_cast %get3A_131 : vector<1x16xf32> to vector<16xf32>
        %mul3A_133 = vector.broadcast %squeeze3A_125 : f32 to vector<16xf32>
        %mul3A_134 = arith.mulf %mul3A_133, %get3A_132 : vector<16xf32>
        %add3A_135 = arith.addf %get3A_76, %mul3A_134 : vector<16xf32>
        %slice3A_136 = vector.extract_strided_slice %get3A_28 {offsets = [8], sizes = [1], strides = [1]} : vector<16xf32> to vector<1xf32>
        %squeeze3A_137 = vector.extract %slice3A_136[0] : f32 from vector<1xf32>
        %add3A_138 = arith.constant 48 : i32
        %add3A_139 = arith.addi %add3A_61, %add3A_138 : i32
        %get3A_140 = arith.constant 0 : i32
        %get3A_141 = arith.index_cast %get3A_140 : i32 to index
        %get3A_142 = arith.index_cast %add3A_139 : i32 to index
        %get3A_143 = tpu.vector_load %arg6[%get3A_141, %get3A_142] {strides = array<i32>} : memref<8x4096xf32, #tpu.memory_space<vmem>>, vector<1x16xf32>,
        %get3A_144 = vector.shape_cast %get3A_143 : vector<1x16xf32> to vector<16xf32>
        %mul3A_145 = vector.broadcast %squeeze3A_137 : f32 to vector<16xf32>
        %mul3A_146 = arith.mulf %mul3A_145, %get3A_144 : vector<16xf32>
        %add3A_147 = arith.addf %get3A_81, %mul3A_146 : vector<16xf32>
        %slice3A_148 = vector.extract_strided_slice %get3A_28 {offsets = [8], sizes = [1], strides = [1]} : vector<16xf32> to vector<1xf32>
        %squeeze3A_149 = vector.extract %slice3A_148[0] : f32 from vector<1xf32>
        %add3A_150 = arith.constant 64 : i32
        %add3A_151 = arith.addi %add3A_61, %add3A_150 : i32
        %get3A_152 = arith.constant 0 : i32
        %get3A_153 = arith.index_cast %get3A_152 : i32 to index
        %get3A_154 = arith.index_cast %add3A_151 : i32 to index
        %get3A_155 = tpu.vector_load %arg6[%get3A_153, %get3A_154] {strides = array<i32>} : memref<8x4096xf32, #tpu.memory_space<vmem>>, vector<1x16xf32>,
        %get3A_156 = vector.shape_cast %get3A_155 : vector<1x16xf32> to vector<16xf32>
        %mul3A_157 = vector.broadcast %squeeze3A_149 : f32 to vector<16xf32>
        %mul3A_158 = arith.mulf %mul3A_157, %get3A_156 : vector<16xf32>
        %add3A_159 = arith.addf %get3A_86, %mul3A_158 : vector<16xf32>
        %slice3A_160 = vector.extract_strided_slice %get3A_28 {offsets = [8], sizes = [1], strides = [1]} : vector<16xf32> to vector<1xf32>
        %squeeze3A_161 = vector.extract %slice3A_160[0] : f32 from vector<1xf32>
        %add3A_162 = arith.constant 80 : i32
        %add3A_163 = arith.addi %add3A_61, %add3A_162 : i32
        %get3A_164 = arith.constant 0 : i32
        %get3A_165 = arith.index_cast %get3A_164 : i32 to index
        %get3A_166 = arith.index_cast %add3A_163 : i32 to index
        %get3A_167 = tpu.vector_load %arg6[%get3A_165, %get3A_166] {strides = array<i32>} : memref<8x4096xf32, #tpu.memory_space<vmem>>, vector<1x16xf32>,
        %get3A_168 = vector.shape_cast %get3A_167 : vector<1x16xf32> to vector<16xf32>
        %mul3A_169 = vector.broadcast %squeeze3A_161 : f32 to vector<16xf32>
        %mul3A_170 = arith.mulf %mul3A_169, %get3A_168 : vector<16xf32>
        %add3A_171 = arith.addf %get3A_91, %mul3A_170 : vector<16xf32>
        %slice3A_172 = vector.extract_strided_slice %get3A_28 {offsets = [8], sizes = [1], strides = [1]} : vector<16xf32> to vector<1xf32>
        %squeeze3A_173 = vector.extract %slice3A_172[0] : f32 from vector<1xf32>
        %add3A_174 = arith.constant 96 : i32
        %add3A_175 = arith.addi %add3A_61, %add3A_174 : i32
        %get3A_176 = arith.constant 0 : i32
        %get3A_177 = arith.index_cast %get3A_176 : i32 to index
        %get3A_178 = arith.index_cast %add3A_175 : i32 to index
        %get3A_179 = tpu.vector_load %arg6[%get3A_177, %get3A_178] {strides = array<i32>} : memref<8x4096xf32, #tpu.memory_space<vmem>>, vector<1x16xf32>,
        %get3A_180 = vector.shape_cast %get3A_179 : vector<1x16xf32> to vector<16xf32>
        %mul3A_181 = vector.broadcast %squeeze3A_173 : f32 to vector<16xf32>
        %mul3A_182 = arith.mulf %mul3A_181, %get3A_180 : vector<16xf32>
        %add3A_183 = arith.addf %get3A_96, %mul3A_182 : vector<16xf32>
        %slice3A_184 = vector.extract_strided_slice %get3A_28 {offsets = [8], sizes = [1], strides = [1]} : vector<16xf32> to vector<1xf32>
        %squeeze3A_185 = vector.extract %slice3A_184[0] : f32 from vector<1xf32>
        %add3A_186 = arith.constant 112 : i32
        %add3A_187 = arith.addi %add3A_61, %add3A_186 : i32
        %get3A_188 = arith.constant 0 : i32
        %get3A_189 = arith.index_cast %get3A_188 : i32 to index
        %get3A_190 = arith.index_cast %add3A_187 : i32 to index
        %get3A_191 = tpu.vector_load %arg6[%get3A_189, %get3A_190] {strides = array<i32>} : memref<8x4096xf32, #tpu.memory_space<vmem>>, vector<1x16xf32>,
        %get3A_192 = vector.shape_cast %get3A_191 : vector<1x16xf32> to vector<16xf32>
        %mul3A_193 = vector.broadcast %squeeze3A_185 : f32 to vector<16xf32>
        %mul3A_194 = arith.mulf %mul3A_193, %get3A_192 : vector<16xf32>
        %add3A_195 = arith.addf %get3A_101, %mul3A_194 : vector<16xf32>
        %slice3A_196 = vector.extract_strided_slice %get3A_28 {offsets = [9], sizes = [1], strides = [1]} : vector<16xf32> to vector<1xf32>
        %squeeze3A_197 = vector.extract %slice3A_196[0] : f32 from vector<1xf32>
        %add3A_198 = arith.constant 0 : i32
        %add3A_199 = arith.addi %add3A_61, %add3A_198 : i32
        %get3A_200 = arith.constant 1 : i32
        %get3A_201 = arith.index_cast %get3A_200 : i32 to index
        %get3A_202 = arith.index_cast %add3A_199 : i32 to index
        %get3A_203 = tpu.vector_load %arg6[%get3A_201, %get3A_202] {strides = array<i32>} : memref<8x4096xf32, #tpu.memory_space<vmem>>, vector<1x16xf32>,
        %get3A_204 = vector.shape_cast %get3A_203 : vector<1x16xf32> to vector<16xf32>
        %mul3A_205 = vector.broadcast %squeeze3A_197 : f32 to vector<16xf32>
        %mul3A_206 = arith.mulf %mul3A_205, %get3A_204 : vector<16xf32>
        %add3A_207 = arith.addf %add3A_111, %mul3A_206 : vector<16xf32>
        %slice3A_208 = vector.extract_strided_slice %get3A_28 {offsets = [9], sizes = [1], strides = [1]} : vector<16xf32> to vector<1xf32>
        %squeeze3A_209 = vector.extract %slice3A_208[0] : f32 from vector<1xf32>
        %add3A_210 = arith.constant 16 : i32
        %add3A_211 = arith.addi %add3A_61, %add3A_210 : i32
        %get3A_212 = arith.constant 1 : i32
        %get3A_213 = arith.index_cast %get3A_212 : i32 to index
        %get3A_214 = arith.index_cast %add3A_211 : i32 to index
        %get3A_215 = tpu.vector_load %arg6[%get3A_213, %get3A_214] {strides = array<i32>} : memref<8x4096xf32, #tpu.memory_space<vmem>>, vector<1x16xf32>,
        %get3A_216 = vector.shape_cast %get3A_215 : vector<1x16xf32> to vector<16xf32>
        %mul3A_217 = vector.broadcast %squeeze3A_209 : f32 to vector<16xf32>
        %mul3A_218 = arith.mulf %mul3A_217, %get3A_216 : vector<16xf32>
        %add3A_219 = arith.addf %add3A_123, %mul3A_218 : vector<16xf32>
        %slice3A_220 = vector.extract_strided_slice %get3A_28 {offsets = [9], sizes = [1], strides = [1]} : vector<16xf32> to vector<1xf32>
        %squeeze3A_221 = vector.extract %slice3A_220[0] : f32 from vector<1xf32>
        %add3A_222 = arith.constant 32 : i32
        %add3A_223 = arith.addi %add3A_61, %add3A_222 : i32
        %get3A_224 = arith.constant 1 : i32
        %get3A_225 = arith.index_cast %get3A_224 : i32 to index
        %get3A_226 = arith.index_cast %add3A_223 : i32 to index
        %get3A_227 = tpu.vector_load %arg6[%get3A_225, %get3A_226] {strides = array<i32>} : memref<8x4096xf32, #tpu.memory_space<vmem>>, vector<1x16xf32>,
        %get3A_228 = vector.shape_cast %get3A_227 : vector<1x16xf32> to vector<16xf32>
        %mul3A_229 = vector.broadcast %squeeze3A_221 : f32 to vector<16xf32>
        %mul3A_230 = arith.mulf %mul3A_229, %get3A_228 : vector<16xf32>
        %add3A_231 = arith.addf %add3A_135, %mul3A_230 : vector<16xf32>
        %slice3A_232 = vector.extract_strided_slice %get3A_28 {offsets = [9], sizes = [1], strides = [1]} : vector<16xf32> to vector<1xf32>
        %squeeze3A_233 = vector.extract %slice3A_232[0] : f32 from vector<1xf32>
        %add3A_234 = arith.constant 48 : i32
        %add3A_235 = arith.addi %add3A_61, %add3A_234 : i32
        %get3A_236 = arith.constant 1 : i32
        %get3A_237 = arith.index_cast %get3A_236 : i32 to index
        %get3A_238 = arith.index_cast %add3A_235 : i32 to index
        %get3A_239 = tpu.vector_load %arg6[%get3A_237, %get3A_238] {strides = array<i32>} : memref<8x4096xf32, #tpu.memory_space<vmem>>, vector<1x16xf32>,
        %get3A_240 = vector.shape_cast %get3A_239 : vector<1x16xf32> to vector<16xf32>
        %mul3A_241 = vector.broadcast %squeeze3A_233 : f32 to vector<16xf32>
        %mul3A_242 = arith.mulf %mul3A_241, %get3A_240 : vector<16xf32>
        %add3A_243 = arith.addf %add3A_147, %mul3A_242 : vector<16xf32>
        %slice3A_244 = vector.extract_strided_slice %get3A_28 {offsets = [9], sizes = [1], strides = [1]} : vector<16xf32> to vector<1xf32>
        %squeeze3A_245 = vector.extract %slice3A_244[0] : f32 from vector<1xf32>
        %add3A_246 = arith.constant 64 : i32
        %add3A_247 = arith.addi %add3A_61, %add3A_246 : i32
        %get3A_248 = arith.constant 1 : i32
        %get3A_249 = arith.index_cast %get3A_248 : i32 to index
        %get3A_250 = arith.index_cast %add3A_247 : i32 to index
        %get3A_251 = tpu.vector_load %arg6[%get3A_249, %get3A_250] {strides = array<i32>} : memref<8x4096xf32, #tpu.memory_space<vmem>>, vector<1x16xf32>,
        %get3A_252 = vector.shape_cast %get3A_251 : vector<1x16xf32> to vector<16xf32>
        %mul3A_253 = vector.broadcast %squeeze3A_245 : f32 to vector<16xf32>
        %mul3A_254 = arith.mulf %mul3A_253, %get3A_252 : vector<16xf32>
        %add3A_255 = arith.addf %add3A_159, %mul3A_254 : vector<16xf32>
        %slice3A_256 = vector.extract_strided_slice %get3A_28 {offsets = [9], sizes = [1], strides = [1]} : vector<16xf32> to vector<1xf32>
        %squeeze3A_257 = vector.extract %slice3A_256[0] : f32 from vector<1xf32>
        %add3A_258 = arith.constant 80 : i32
        %add3A_259 = arith.addi %add3A_61, %add3A_258 : i32
        %get3A_260 = arith.constant 1 : i32
        %get3A_261 = arith.index_cast %get3A_260 : i32 to index
        %get3A_262 = arith.index_cast %add3A_259 : i32 to index
        %get3A_263 = tpu.vector_load %arg6[%get3A_261, %get3A_262] {strides = array<i32>} : memref<8x4096xf32, #tpu.memory_space<vmem>>, vector<1x16xf32>,
        %get3A_264 = vector.shape_cast %get3A_263 : vector<1x16xf32> to vector<16xf32>
        %mul3A_265 = vector.broadcast %squeeze3A_257 : f32 to vector<16xf32>
        %mul3A_266 = arith.mulf %mul3A_265, %get3A_264 : vector<16xf32>
        %add3A_267 = arith.addf %add3A_171, %mul3A_266 : vector<16xf32>
        %slice3A_268 = vector.extract_strided_slice %get3A_28 {offsets = [9], sizes = [1], strides = [1]} : vector<16xf32> to vector<1xf32>
        %squeeze3A_269 = vector.extract %slice3A_268[0] : f32 from vector<1xf32>
        %add3A_270 = arith.constant 96 : i32
        %add3A_271 = arith.addi %add3A_61, %add3A_270 : i32
        %get3A_272 = arith.constant 1 : i32
        %get3A_273 = arith.index_cast %get3A_272 : i32 to index
        %get3A_274 = arith.index_cast %add3A_271 : i32 to index
        %get3A_275 = tpu.vector_load %arg6[%get3A_273, %get3A_274] {strides = array<i32>} : memref<8x4096xf32, #tpu.memory_space<vmem>>, vector<1x16xf32>,
        %get3A_276 = vector.shape_cast %get3A_275 : vector<1x16xf32> to vector<16xf32>
        %mul3A_277 = vector.broadcast %squeeze3A_269 : f32 to vector<16xf32>
        %mul3A_278 = arith.mulf %mul3A_277, %get3A_276 : vector<16xf32>
        %add3A_279 = arith.addf %add3A_183, %mul3A_278 : vector<16xf32>
        %slice3A_280 = vector.extract_strided_slice %get3A_28 {offsets = [9], sizes = [1], strides = [1]} : vector<16xf32> to vector<1xf32>
        %squeeze3A_281 = vector.extract %slice3A_280[0] : f32 from vector<1xf32>
        %add3A_282 = arith.constant 112 : i32
        %add3A_283 = arith.addi %add3A_61, %add3A_282 : i32
        %get3A_284 = arith.constant 1 : i32
        %get3A_285 = arith.index_cast %get3A_284 : i32 to index
        %get3A_286 = arith.index_cast %add3A_283 : i32 to index
        %get3A_287 = tpu.vector_load %arg6[%get3A_285, %get3A_286] {strides = array<i32>} : memref<8x4096xf32, #tpu.memory_space<vmem>>, vector<1x16xf32>,
        %get3A_288 = vector.shape_cast %get3A_287 : vector<1x16xf32> to vector<16xf32>
        %mul3A_289 = vector.broadcast %squeeze3A_281 : f32 to vector<16xf32>
        %mul3A_290 = arith.mulf %mul3A_289, %get3A_288 : vector<16xf32>
        %add3A_291 = arith.addf %add3A_195, %mul3A_290 : vector<16xf32>
        %slice3A_292 = vector.extract_strided_slice %get3A_28 {offsets = [10], sizes = [1], strides = [1]} : vector<16xf32> to vector<1xf32>
        %squeeze3A_293 = vector.extract %slice3A_292[0] : f32 from vector<1xf32>
        %add3A_294 = arith.constant 0 : i32
        %add3A_295 = arith.addi %add3A_61, %add3A_294 : i32
        %get3A_296 = arith.constant 2 : i32
        %get3A_297 = arith.index_cast %get3A_296 : i32 to index
        %get3A_298 = arith.index_cast %add3A_295 : i32 to index
        %get3A_299 = tpu.vector_load %arg6[%get3A_297, %get3A_298] {strides = array<i32>} : memref<8x4096xf32, #tpu.memory_space<vmem>>, vector<1x16xf32>,
        %get3A_300 = vector.shape_cast %get3A_299 : vector<1x16xf32> to vector<16xf32>
        %mul3A_301 = vector.broadcast %squeeze3A_293 : f32 to vector<16xf32>
        %mul3A_302 = arith.mulf %mul3A_301, %get3A_300 : vector<16xf32>
        %add3A_303 = arith.addf %add3A_207, %mul3A_302 : vector<16xf32>
        %slice3A_304 = vector.extract_strided_slice %get3A_28 {offsets = [10], sizes = [1], strides = [1]} : vector<16xf32> to vector<1xf32>
        %squeeze3A_305 = vector.extract %slice3A_304[0] : f32 from vector<1xf32>
        %add3A_306 = arith.constant 16 : i32
        %add3A_307 = arith.addi %add3A_61, %add3A_306 : i32
        %get3A_308 = arith.constant 2 : i32
        %get3A_309 = arith.index_cast %get3A_308 : i32 to index
        %get3A_310 = arith.index_cast %add3A_307 : i32 to index
        %get3A_311 = tpu.vector_load %arg6[%get3A_309, %get3A_310] {strides = array<i32>} : memref<8x4096xf32, #tpu.memory_space<vmem>>, vector<1x16xf32>,
        %get3A_312 = vector.shape_cast %get3A_311 : vector<1x16xf32> to vector<16xf32>
        %mul3A_313 = vector.broadcast %squeeze3A_305 : f32 to vector<16xf32>
        %mul3A_314 = arith.mulf %mul3A_313, %get3A_312 : vector<16xf32>
        %add3A_315 = arith.addf %add3A_219, %mul3A_314 : vector<16xf32>
        %slice3A_316 = vector.extract_strided_slice %get3A_28 {offsets = [10], sizes = [1], strides = [1]} : vector<16xf32> to vector<1xf32>
        %squeeze3A_317 = vector.extract %slice3A_316[0] : f32 from vector<1xf32>
        %add3A_318 = arith.constant 32 : i32
        %add3A_319 = arith.addi %add3A_61, %add3A_318 : i32
        %get3A_320 = arith.constant 2 : i32
        %get3A_321 = arith.index_cast %get3A_320 : i32 to index
        %get3A_322 = arith.index_cast %add3A_319 : i32 to index
        %get3A_323 = tpu.vector_load %arg6[%get3A_321, %get3A_322] {strides = array<i32>} : memref<8x4096xf32, #tpu.memory_space<vmem>>, vector<1x16xf32>,
        %get3A_324 = vector.shape_cast %get3A_323 : vector<1x16xf32> to vector<16xf32>
        %mul3A_325 = vector.broadcast %squeeze3A_317 : f32 to vector<16xf32>
        %mul3A_326 = arith.mulf %mul3A_325, %get3A_324 : vector<16xf32>
        %add3A_327 = arith.addf %add3A_231, %mul3A_326 : vector<16xf32>
        %slice3A_328 = vector.extract_strided_slice %get3A_28 {offsets = [10], sizes = [1], strides = [1]} : vector<16xf32> to vector<1xf32>
        %squeeze3A_329 = vector.extract %slice3A_328[0] : f32 from vector<1xf32>
        %add3A_330 = arith.constant 48 : i32
        %add3A_331 = arith.addi %add3A_61, %add3A_330 : i32
        %get3A_332 = arith.constant 2 : i32
        %get3A_333 = arith.index_cast %get3A_332 : i32 to index
        %get3A_334 = arith.index_cast %add3A_331 : i32 to index
        %get3A_335 = tpu.vector_load %arg6[%get3A_333, %get3A_334] {strides = array<i32>} : memref<8x4096xf32, #tpu.memory_space<vmem>>, vector<1x16xf32>,
        %get3A_336 = vector.shape_cast %get3A_335 : vector<1x16xf32> to vector<16xf32>
        %mul3A_337 = vector.broadcast %squeeze3A_329 : f32 to vector<16xf32>
        %mul3A_338 = arith.mulf %mul3A_337, %get3A_336 : vector<16xf32>
        %add3A_339 = arith.addf %add3A_243, %mul3A_338 : vector<16xf32>
        %slice3A_340 = vector.extract_strided_slice %get3A_28 {offsets = [10], sizes = [1], strides = [1]} : vector<16xf32> to vector<1xf32>
        %squeeze3A_341 = vector.extract %slice3A_340[0] : f32 from vector<1xf32>
        %add3A_342 = arith.constant 64 : i32
        %add3A_343 = arith.addi %add3A_61, %add3A_342 : i32
        %get3A_344 = arith.constant 2 : i32
        %get3A_345 = arith.index_cast %get3A_344 : i32 to index
        %get3A_346 = arith.index_cast %add3A_343 : i32 to index
        %get3A_347 = tpu.vector_load %arg6[%get3A_345, %get3A_346] {strides = array<i32>} : memref<8x4096xf32, #tpu.memory_space<vmem>>, vector<1x16xf32>,
        %get3A_348 = vector.shape_cast %get3A_347 : vector<1x16xf32> to vector<16xf32>
        %mul3A_349 = vector.broadcast %squeeze3A_341 : f32 to vector<16xf32>
        %mul3A_350 = arith.mulf %mul3A_349, %get3A_348 : vector<16xf32>
        %add3A_351 = arith.addf %add3A_255, %mul3A_350 : vector<16xf32>
        %slice3A_352 = vector.extract_strided_slice %get3A_28 {offsets = [10], sizes = [1], strides = [1]} : vector<16xf32> to vector<1xf32>
        %squeeze3A_353 = vector.extract %slice3A_352[0] : f32 from vector<1xf32>
        %add3A_354 = arith.constant 80 : i32
        %add3A_355 = arith.addi %add3A_61, %add3A_354 : i32
        %get3A_356 = arith.constant 2 : i32
        %get3A_357 = arith.index_cast %get3A_356 : i32 to index
        %get3A_358 = arith.index_cast %add3A_355 : i32 to index
        %get3A_359 = tpu.vector_load %arg6[%get3A_357, %get3A_358] {strides = array<i32>} : memref<8x4096xf32, #tpu.memory_space<vmem>>, vector<1x16xf32>,
        %get3A_360 = vector.shape_cast %get3A_359 : vector<1x16xf32> to vector<16xf32>
        %mul3A_361 = vector.broadcast %squeeze3A_353 : f32 to vector<16xf32>
        %mul3A_362 = arith.mulf %mul3A_361, %get3A_360 : vector<16xf32>
        %add3A_363 = arith.addf %add3A_267, %mul3A_362 : vector<16xf32>
        %slice3A_364 = vector.extract_strided_slice %get3A_28 {offsets = [10], sizes = [1], strides = [1]} : vector<16xf32> to vector<1xf32>
        %squeeze3A_365 = vector.extract %slice3A_364[0] : f32 from vector<1xf32>
        %add3A_366 = arith.constant 96 : i32
        %add3A_367 = arith.addi %add3A_61, %add3A_366 : i32
        %get3A_368 = arith.constant 2 : i32
        %get3A_369 = arith.index_cast %get3A_368 : i32 to index
        %get3A_370 = arith.index_cast %add3A_367 : i32 to index
        %get3A_371 = tpu.vector_load %arg6[%get3A_369, %get3A_370] {strides = array<i32>} : memref<8x4096xf32, #tpu.memory_space<vmem>>, vector<1x16xf32>,
        %get3A_372 = vector.shape_cast %get3A_371 : vector<1x16xf32> to vector<16xf32>
        %mul3A_373 = vector.broadcast %squeeze3A_365 : f32 to vector<16xf32>
        %mul3A_374 = arith.mulf %mul3A_373, %get3A_372 : vector<16xf32>
        %add3A_375 = arith.addf %add3A_279, %mul3A_374 : vector<16xf32>
        %slice3A_376 = vector.extract_strided_slice %get3A_28 {offsets = [10], sizes = [1], strides = [1]} : vector<16xf32> to vector<1xf32>
        %squeeze3A_377 = vector.extract %slice3A_376[0] : f32 from vector<1xf32>
        %add3A_378 = arith.constant 112 : i32
        %add3A_379 = arith.addi %add3A_61, %add3A_378 : i32
        %get3A_380 = arith.constant 2 : i32
        %get3A_381 = arith.index_cast %get3A_380 : i32 to index
        %get3A_382 = arith.index_cast %add3A_379 : i32 to index
        %get3A_383 = tpu.vector_load %arg6[%get3A_381, %get3A_382] {strides = array<i32>} : memref<8x4096xf32, #tpu.memory_space<vmem>>, vector<1x16xf32>,
        %get3A_384 = vector.shape_cast %get3A_383 : vector<1x16xf32> to vector<16xf32>
        %mul3A_385 = vector.broadcast %squeeze3A_377 : f32 to vector<16xf32>
        %mul3A_386 = arith.mulf %mul3A_385, %get3A_384 : vector<16xf32>
        %add3A_387 = arith.addf %add3A_291, %mul3A_386 : vector<16xf32>
        %slice3A_388 = vector.extract_strided_slice %get3A_28 {offsets = [11], sizes = [1], strides = [1]} : vector<16xf32> to vector<1xf32>
        %squeeze3A_389 = vector.extract %slice3A_388[0] : f32 from vector<1xf32>
        %add3A_390 = arith.constant 0 : i32
        %add3A_391 = arith.addi %add3A_61, %add3A_390 : i32
        %get3A_392 = arith.constant 3 : i32
        %get3A_393 = arith.index_cast %get3A_392 : i32 to index
        %get3A_394 = arith.index_cast %add3A_391 : i32 to index
        %get3A_395 = tpu.vector_load %arg6[%get3A_393, %get3A_394] {strides = array<i32>} : memref<8x4096xf32, #tpu.memory_space<vmem>>, vector<1x16xf32>,
        %get3A_396 = vector.shape_cast %get3A_395 : vector<1x16xf32> to vector<16xf32>
        %mul3A_397 = vector.broadcast %squeeze3A_389 : f32 to vector<16xf32>
        %mul3A_398 = arith.mulf %mul3A_397, %get3A_396 : vector<16xf32>
        %add3A_399 = arith.addf %add3A_303, %mul3A_398 : vector<16xf32>
        %slice3A_400 = vector.extract_strided_slice %get3A_28 {offsets = [11], sizes = [1], strides = [1]} : vector<16xf32> to vector<1xf32>
        %squeeze3A_401 = vector.extract %slice3A_400[0] : f32 from vector<1xf32>
        %add3A_402 = arith.constant 16 : i32
        %add3A_403 = arith.addi %add3A_61, %add3A_402 : i32
        %get3A_404 = arith.constant 3 : i32
        %get3A_405 = arith.index_cast %get3A_404 : i32 to index
        %get3A_406 = arith.index_cast %add3A_403 : i32 to index
        %get3A_407 = tpu.vector_load %arg6[%get3A_405, %get3A_406] {strides = array<i32>} : memref<8x4096xf32, #tpu.memory_space<vmem>>, vector<1x16xf32>,
        %get3A_408 = vector.shape_cast %get3A_407 : vector<1x16xf32> to vector<16xf32>
        %mul3A_409 = vector.broadcast %squeeze3A_401 : f32 to vector<16xf32>
        %mul3A_410 = arith.mulf %mul3A_409, %get3A_408 : vector<16xf32>
        %add3A_411 = arith.addf %add3A_315, %mul3A_410 : vector<16xf32>
        %slice3A_412 = vector.extract_strided_slice %get3A_28 {offsets = [11], sizes = [1], strides = [1]} : vector<16xf32> to vector<1xf32>
        %squeeze3A_413 = vector.extract %slice3A_412[0] : f32 from vector<1xf32>
        %add3A_414 = arith.constant 32 : i32
        %add3A_415 = arith.addi %add3A_61, %add3A_414 : i32
        %get3A_416 = arith.constant 3 : i32
        %get3A_417 = arith.index_cast %get3A_416 : i32 to index
        %get3A_418 = arith.index_cast %add3A_415 : i32 to index
        %get3A_419 = tpu.vector_load %arg6[%get3A_417, %get3A_418] {strides = array<i32>} : memref<8x4096xf32, #tpu.memory_space<vmem>>, vector<1x16xf32>,
        %get3A_420 = vector.shape_cast %get3A_419 : vector<1x16xf32> to vector<16xf32>
        %mul3A_421 = vector.broadcast %squeeze3A_413 : f32 to vector<16xf32>
        %mul3A_422 = arith.mulf %mul3A_421, %get3A_420 : vector<16xf32>
        %add3A_423 = arith.addf %add3A_327, %mul3A_422 : vector<16xf32>
        %slice3A_424 = vector.extract_strided_slice %get3A_28 {offsets = [11], sizes = [1], strides = [1]} : vector<16xf32> to vector<1xf32>
        %squeeze3A_425 = vector.extract %slice3A_424[0] : f32 from vector<1xf32>
        %add3A_426 = arith.constant 48 : i32
        %add3A_427 = arith.addi %add3A_61, %add3A_426 : i32
        %get3A_428 = arith.constant 3 : i32
        %get3A_429 = arith.index_cast %get3A_428 : i32 to index
        %get3A_430 = arith.index_cast %add3A_427 : i32 to index
        %get3A_431 = tpu.vector_load %arg6[%get3A_429, %get3A_430] {strides = array<i32>} : memref<8x4096xf32, #tpu.memory_space<vmem>>, vector<1x16xf32>,
        %get3A_432 = vector.shape_cast %get3A_431 : vector<1x16xf32> to vector<16xf32>
        %mul3A_433 = vector.broadcast %squeeze3A_425 : f32 to vector<16xf32>
        %mul3A_434 = arith.mulf %mul3A_433, %get3A_432 : vector<16xf32>
        %add3A_435 = arith.addf %add3A_339, %mul3A_434 : vector<16xf32>
        %slice3A_436 = vector.extract_strided_slice %get3A_28 {offsets = [11], sizes = [1], strides = [1]} : vector<16xf32> to vector<1xf32>
        %squeeze3A_437 = vector.extract %slice3A_436[0] : f32 from vector<1xf32>
        %add3A_438 = arith.constant 64 : i32
        %add3A_439 = arith.addi %add3A_61, %add3A_438 : i32
        %get3A_440 = arith.constant 3 : i32
        %get3A_441 = arith.index_cast %get3A_440 : i32 to index
        %get3A_442 = arith.index_cast %add3A_439 : i32 to index
        %get3A_443 = tpu.vector_load %arg6[%get3A_441, %get3A_442] {strides = array<i32>} : memref<8x4096xf32, #tpu.memory_space<vmem>>, vector<1x16xf32>,
        %get3A_444 = vector.shape_cast %get3A_443 : vector<1x16xf32> to vector<16xf32>
        %mul3A_445 = vector.broadcast %squeeze3A_437 : f32 to vector<16xf32>
        %mul3A_446 = arith.mulf %mul3A_445, %get3A_444 : vector<16xf32>
        %add3A_447 = arith.addf %add3A_351, %mul3A_446 : vector<16xf32>
        %slice3A_448 = vector.extract_strided_slice %get3A_28 {offsets = [11], sizes = [1], strides = [1]} : vector<16xf32> to vector<1xf32>
        %squeeze3A_449 = vector.extract %slice3A_448[0] : f32 from vector<1xf32>
        %add3A_450 = arith.constant 80 : i32
        %add3A_451 = arith.addi %add3A_61, %add3A_450 : i32
        %get3A_452 = arith.constant 3 : i32
        %get3A_453 = arith.index_cast %get3A_452 : i32 to index
        %get3A_454 = arith.index_cast %add3A_451 : i32 to index
        %get3A_455 = tpu.vector_load %arg6[%get3A_453, %get3A_454] {strides = array<i32>} : memref<8x4096xf32, #tpu.memory_space<vmem>>, vector<1x16xf32>,
        %get3A_456 = vector.shape_cast %get3A_455 : vector<1x16xf32> to vector<16xf32>
        %mul3A_457 = vector.broadcast %squeeze3A_449 : f32 to vector<16xf32>
        %mul3A_458 = arith.mulf %mul3A_457, %get3A_456 : vector<16xf32>
        %add3A_459 = arith.addf %add3A_363, %mul3A_458 : vector<16xf32>
        %slice3A_460 = vector.extract_strided_slice %get3A_28 {offsets = [11], sizes = [1], strides = [1]} : vector<16xf32> to vector<1xf32>
        %squeeze3A_461 = vector.extract %slice3A_460[0] : f32 from vector<1xf32>
        %add3A_462 = arith.constant 96 : i32
        %add3A_463 = arith.addi %add3A_61, %add3A_462 : i32
        %get3A_464 = arith.constant 3 : i32
        %get3A_465 = arith.index_cast %get3A_464 : i32 to index
        %get3A_466 = arith.index_cast %add3A_463 : i32 to index
        %get3A_467 = tpu.vector_load %arg6[%get3A_465, %get3A_466] {strides = array<i32>} : memref<8x4096xf32, #tpu.memory_space<vmem>>, vector<1x16xf32>,
        %get3A_468 = vector.shape_cast %get3A_467 : vector<1x16xf32> to vector<16xf32>
        %mul3A_469 = vector.broadcast %squeeze3A_461 : f32 to vector<16xf32>
        %mul3A_470 = arith.mulf %mul3A_469, %get3A_468 : vector<16xf32>
        %add3A_471 = arith.addf %add3A_375, %mul3A_470 : vector<16xf32>
        %slice3A_472 = vector.extract_strided_slice %get3A_28 {offsets = [11], sizes = [1], strides = [1]} : vector<16xf32> to vector<1xf32>
        %squeeze3A_473 = vector.extract %slice3A_472[0] : f32 from vector<1xf32>
        %add3A_474 = arith.constant 112 : i32
        %add3A_475 = arith.addi %add3A_61, %add3A_474 : i32
        %get3A_476 = arith.constant 3 : i32
        %get3A_477 = arith.index_cast %get3A_476 : i32 to index
        %get3A_478 = arith.index_cast %add3A_475 : i32 to index
        %get3A_479 = tpu.vector_load %arg6[%get3A_477, %get3A_478] {strides = array<i32>} : memref<8x4096xf32, #tpu.memory_space<vmem>>, vector<1x16xf32>,
        %get3A_480 = vector.shape_cast %get3A_479 : vector<1x16xf32> to vector<16xf32>
        %mul3A_481 = vector.broadcast %squeeze3A_473 : f32 to vector<16xf32>
        %mul3A_482 = arith.mulf %mul3A_481, %get3A_480 : vector<16xf32>
        %add3A_483 = arith.addf %add3A_387, %mul3A_482 : vector<16xf32>
        %slice3A_484 = vector.extract_strided_slice %get3A_28 {offsets = [12], sizes = [1], strides = [1]} : vector<16xf32> to vector<1xf32>
        %squeeze3A_485 = vector.extract %slice3A_484[0] : f32 from vector<1xf32>
        %add3A_486 = arith.constant 0 : i32
        %add3A_487 = arith.addi %add3A_61, %add3A_486 : i32
        %get3A_488 = arith.constant 4 : i32
        %get3A_489 = arith.index_cast %get3A_488 : i32 to index
        %get3A_490 = arith.index_cast %add3A_487 : i32 to index
        %get3A_491 = tpu.vector_load %arg6[%get3A_489, %get3A_490] {strides = array<i32>} : memref<8x4096xf32, #tpu.memory_space<vmem>>, vector<1x16xf32>,
        %get3A_492 = vector.shape_cast %get3A_491 : vector<1x16xf32> to vector<16xf32>
        %mul3A_493 = vector.broadcast %squeeze3A_485 : f32 to vector<16xf32>
        %mul3A_494 = arith.mulf %mul3A_493, %get3A_492 : vector<16xf32>
        %add3A_495 = arith.addf %add3A_399, %mul3A_494 : vector<16xf32>
        %slice3A_496 = vector.extract_strided_slice %get3A_28 {offsets = [12], sizes = [1], strides = [1]} : vector<16xf32> to vector<1xf32>
        %squeeze3A_497 = vector.extract %slice3A_496[0] : f32 from vector<1xf32>
        %add3A_498 = arith.constant 16 : i32
        %add3A_499 = arith.addi %add3A_61, %add3A_498 : i32
        %get3A_500 = arith.constant 4 : i32
        %get3A_501 = arith.index_cast %get3A_500 : i32 to index
        %get3A_502 = arith.index_cast %add3A_499 : i32 to index
        %get3A_503 = tpu.vector_load %arg6[%get3A_501, %get3A_502] {strides = array<i32>} : memref<8x4096xf32, #tpu.memory_space<vmem>>, vector<1x16xf32>,
        %get3A_504 = vector.shape_cast %get3A_503 : vector<1x16xf32> to vector<16xf32>
        %mul3A_505 = vector.broadcast %squeeze3A_497 : f32 to vector<16xf32>
        %mul3A_506 = arith.mulf %mul3A_505, %get3A_504 : vector<16xf32>
        %add3A_507 = arith.addf %add3A_411, %mul3A_506 : vector<16xf32>
        %slice3A_508 = vector.extract_strided_slice %get3A_28 {offsets = [12], sizes = [1], strides = [1]} : vector<16xf32> to vector<1xf32>
        %squeeze3A_509 = vector.extract %slice3A_508[0] : f32 from vector<1xf32>
        %add3A_510 = arith.constant 32 : i32
        %add3A_511 = arith.addi %add3A_61, %add3A_510 : i32
        %get3A_512 = arith.constant 4 : i32
        %get3A_513 = arith.index_cast %get3A_512 : i32 to index
        %get3A_514 = arith.index_cast %add3A_511 : i32 to index
        %get3A_515 = tpu.vector_load %arg6[%get3A_513, %get3A_514] {strides = array<i32>} : memref<8x4096xf32, #tpu.memory_space<vmem>>, vector<1x16xf32>,
        %get3A_516 = vector.shape_cast %get3A_515 : vector<1x16xf32> to vector<16xf32>
        %mul3A_517 = vector.broadcast %squeeze3A_509 : f32 to vector<16xf32>
        %mul3A_518 = arith.mulf %mul3A_517, %get3A_516 : vector<16xf32>
        %add3A_519 = arith.addf %add3A_423, %mul3A_518 : vector<16xf32>
        %slice3A_520 = vector.extract_strided_slice %get3A_28 {offsets = [12], sizes = [1], strides = [1]} : vector<16xf32> to vector<1xf32>
        %squeeze3A_521 = vector.extract %slice3A_520[0] : f32 from vector<1xf32>
        %add3A_522 = arith.constant 48 : i32
        %add3A_523 = arith.addi %add3A_61, %add3A_522 : i32
        %get3A_524 = arith.constant 4 : i32
        %get3A_525 = arith.index_cast %get3A_524 : i32 to index
        %get3A_526 = arith.index_cast %add3A_523 : i32 to index
        %get3A_527 = tpu.vector_load %arg6[%get3A_525, %get3A_526] {strides = array<i32>} : memref<8x4096xf32, #tpu.memory_space<vmem>>, vector<1x16xf32>,
        %get3A_528 = vector.shape_cast %get3A_527 : vector<1x16xf32> to vector<16xf32>
        %mul3A_529 = vector.broadcast %squeeze3A_521 : f32 to vector<16xf32>
        %mul3A_530 = arith.mulf %mul3A_529, %get3A_528 : vector<16xf32>
        %add3A_531 = arith.addf %add3A_435, %mul3A_530 : vector<16xf32>
        %slice3A_532 = vector.extract_strided_slice %get3A_28 {offsets = [12], sizes = [1], strides = [1]} : vector<16xf32> to vector<1xf32>
        %squeeze3A_533 = vector.extract %slice3A_532[0] : f32 from vector<1xf32>
        %add3A_534 = arith.constant 64 : i32
        %add3A_535 = arith.addi %add3A_61, %add3A_534 : i32
        %get3A_536 = arith.constant 4 : i32
        %get3A_537 = arith.index_cast %get3A_536 : i32 to index
        %get3A_538 = arith.index_cast %add3A_535 : i32 to index
        %get3A_539 = tpu.vector_load %arg6[%get3A_537, %get3A_538] {strides = array<i32>} : memref<8x4096xf32, #tpu.memory_space<vmem>>, vector<1x16xf32>,
        %get3A_540 = vector.shape_cast %get3A_539 : vector<1x16xf32> to vector<16xf32>
        %mul3A_541 = vector.broadcast %squeeze3A_533 : f32 to vector<16xf32>
        %mul3A_542 = arith.mulf %mul3A_541, %get3A_540 : vector<16xf32>
        %add3A_543 = arith.addf %add3A_447, %mul3A_542 : vector<16xf32>
        %slice3A_544 = vector.extract_strided_slice %get3A_28 {offsets = [12], sizes = [1], strides = [1]} : vector<16xf32> to vector<1xf32>
        %squeeze3A_545 = vector.extract %slice3A_544[0] : f32 from vector<1xf32>
        %add3A_546 = arith.constant 80 : i32
        %add3A_547 = arith.addi %add3A_61, %add3A_546 : i32
        %get3A_548 = arith.constant 4 : i32
        %get3A_549 = arith.index_cast %get3A_548 : i32 to index
        %get3A_550 = arith.index_cast %add3A_547 : i32 to index
        %get3A_551 = tpu.vector_load %arg6[%get3A_549, %get3A_550] {strides = array<i32>} : memref<8x4096xf32, #tpu.memory_space<vmem>>, vector<1x16xf32>,
        %get3A_552 = vector.shape_cast %get3A_551 : vector<1x16xf32> to vector<16xf32>
        %mul3A_553 = vector.broadcast %squeeze3A_545 : f32 to vector<16xf32>
        %mul3A_554 = arith.mulf %mul3A_553, %get3A_552 : vector<16xf32>
        %add3A_555 = arith.addf %add3A_459, %mul3A_554 : vector<16xf32>
        %slice3A_556 = vector.extract_strided_slice %get3A_28 {offsets = [12], sizes = [1], strides = [1]} : vector<16xf32> to vector<1xf32>
        %squeeze3A_557 = vector.extract %slice3A_556[0] : f32 from vector<1xf32>
        %add3A_558 = arith.constant 96 : i32
        %add3A_559 = arith.addi %add3A_61, %add3A_558 : i32
        %get3A_560 = arith.constant 4 : i32
        %get3A_561 = arith.index_cast %get3A_560 : i32 to index
        %get3A_562 = arith.index_cast %add3A_559 : i32 to index
        %get3A_563 = tpu.vector_load %arg6[%get3A_561, %get3A_562] {strides = array<i32>} : memref<8x4096xf32, #tpu.memory_space<vmem>>, vector<1x16xf32>,
        %get3A_564 = vector.shape_cast %get3A_563 : vector<1x16xf32> to vector<16xf32>
        %mul3A_565 = vector.broadcast %squeeze3A_557 : f32 to vector<16xf32>
        %mul3A_566 = arith.mulf %mul3A_565, %get3A_564 : vector<16xf32>
        %add3A_567 = arith.addf %add3A_471, %mul3A_566 : vector<16xf32>
        %slice3A_568 = vector.extract_strided_slice %get3A_28 {offsets = [12], sizes = [1], strides = [1]} : vector<16xf32> to vector<1xf32>
        %squeeze3A_569 = vector.extract %slice3A_568[0] : f32 from vector<1xf32>
        %add3A_570 = arith.constant 112 : i32
        %add3A_571 = arith.addi %add3A_61, %add3A_570 : i32
        %get3A_572 = arith.constant 4 : i32
        %get3A_573 = arith.index_cast %get3A_572 : i32 to index
        %get3A_574 = arith.index_cast %add3A_571 : i32 to index
        %get3A_575 = tpu.vector_load %arg6[%get3A_573, %get3A_574] {strides = array<i32>} : memref<8x4096xf32, #tpu.memory_space<vmem>>, vector<1x16xf32>,
        %get3A_576 = vector.shape_cast %get3A_575 : vector<1x16xf32> to vector<16xf32>
        %mul3A_577 = vector.broadcast %squeeze3A_569 : f32 to vector<16xf32>
        %mul3A_578 = arith.mulf %mul3A_577, %get3A_576 : vector<16xf32>
        %add3A_579 = arith.addf %add3A_483, %mul3A_578 : vector<16xf32>
        %slice3A_580 = vector.extract_strided_slice %get3A_28 {offsets = [13], sizes = [1], strides = [1]} : vector<16xf32> to vector<1xf32>
        %squeeze3A_581 = vector.extract %slice3A_580[0] : f32 from vector<1xf32>
        %add3A_582 = arith.constant 0 : i32
        %add3A_583 = arith.addi %add3A_61, %add3A_582 : i32
        %get3A_584 = arith.constant 5 : i32
        %get3A_585 = arith.index_cast %get3A_584 : i32 to index
        %get3A_586 = arith.index_cast %add3A_583 : i32 to index
        %get3A_587 = tpu.vector_load %arg6[%get3A_585, %get3A_586] {strides = array<i32>} : memref<8x4096xf32, #tpu.memory_space<vmem>>, vector<1x16xf32>,
        %get3A_588 = vector.shape_cast %get3A_587 : vector<1x16xf32> to vector<16xf32>
        %mul3A_589 = vector.broadcast %squeeze3A_581 : f32 to vector<16xf32>
        %mul3A_590 = arith.mulf %mul3A_589, %get3A_588 : vector<16xf32>
        %add3A_591 = arith.addf %add3A_495, %mul3A_590 : vector<16xf32>
        %slice3A_592 = vector.extract_strided_slice %get3A_28 {offsets = [13], sizes = [1], strides = [1]} : vector<16xf32> to vector<1xf32>
        %squeeze3A_593 = vector.extract %slice3A_592[0] : f32 from vector<1xf32>
        %add3A_594 = arith.constant 16 : i32
        %add3A_595 = arith.addi %add3A_61, %add3A_594 : i32
        %get3A_596 = arith.constant 5 : i32
        %get3A_597 = arith.index_cast %get3A_596 : i32 to index
        %get3A_598 = arith.index_cast %add3A_595 : i32 to index
        %get3A_599 = tpu.vector_load %arg6[%get3A_597, %get3A_598] {strides = array<i32>} : memref<8x4096xf32, #tpu.memory_space<vmem>>, vector<1x16xf32>,
        %get3A_600 = vector.shape_cast %get3A_599 : vector<1x16xf32> to vector<16xf32>
        %mul3A_601 = vector.broadcast %squeeze3A_593 : f32 to vector<16xf32>
        %mul3A_602 = arith.mulf %mul3A_601, %get3A_600 : vector<16xf32>
        %add3A_603 = arith.addf %add3A_507, %mul3A_602 : vector<16xf32>
        %slice3A_604 = vector.extract_strided_slice %get3A_28 {offsets = [13], sizes = [1], strides = [1]} : vector<16xf32> to vector<1xf32>
        %squeeze3A_605 = vector.extract %slice3A_604[0] : f32 from vector<1xf32>
        %add3A_606 = arith.constant 32 : i32
        %add3A_607 = arith.addi %add3A_61, %add3A_606 : i32
        %get3A_608 = arith.constant 5 : i32
        %get3A_609 = arith.index_cast %get3A_608 : i32 to index
        %get3A_610 = arith.index_cast %add3A_607 : i32 to index
        %get3A_611 = tpu.vector_load %arg6[%get3A_609, %get3A_610] {strides = array<i32>} : memref<8x4096xf32, #tpu.memory_space<vmem>>, vector<1x16xf32>,
        %get3A_612 = vector.shape_cast %get3A_611 : vector<1x16xf32> to vector<16xf32>
        %mul3A_613 = vector.broadcast %squeeze3A_605 : f32 to vector<16xf32>
        %mul3A_614 = arith.mulf %mul3A_613, %get3A_612 : vector<16xf32>
        %add3A_615 = arith.addf %add3A_519, %mul3A_614 : vector<16xf32>
        %slice3A_616 = vector.extract_strided_slice %get3A_28 {offsets = [13], sizes = [1], strides = [1]} : vector<16xf32> to vector<1xf32>
        %squeeze3A_617 = vector.extract %slice3A_616[0] : f32 from vector<1xf32>
        %add3A_618 = arith.constant 48 : i32
        %add3A_619 = arith.addi %add3A_61, %add3A_618 : i32
        %get3A_620 = arith.constant 5 : i32
        %get3A_621 = arith.index_cast %get3A_620 : i32 to index
        %get3A_622 = arith.index_cast %add3A_619 : i32 to index
        %get3A_623 = tpu.vector_load %arg6[%get3A_621, %get3A_622] {strides = array<i32>} : memref<8x4096xf32, #tpu.memory_space<vmem>>, vector<1x16xf32>,
        %get3A_624 = vector.shape_cast %get3A_623 : vector<1x16xf32> to vector<16xf32>
        %mul3A_625 = vector.broadcast %squeeze3A_617 : f32 to vector<16xf32>
        %mul3A_626 = arith.mulf %mul3A_625, %get3A_624 : vector<16xf32>
        %add3A_627 = arith.addf %add3A_531, %mul3A_626 : vector<16xf32>
        %slice3A_628 = vector.extract_strided_slice %get3A_28 {offsets = [13], sizes = [1], strides = [1]} : vector<16xf32> to vector<1xf32>
        %squeeze3A_629 = vector.extract %slice3A_628[0] : f32 from vector<1xf32>
        %add3A_630 = arith.constant 64 : i32
        %add3A_631 = arith.addi %add3A_61, %add3A_630 : i32
        %get3A_632 = arith.constant 5 : i32
        %get3A_633 = arith.index_cast %get3A_632 : i32 to index
        %get3A_634 = arith.index_cast %add3A_631 : i32 to index
        %get3A_635 = tpu.vector_load %arg6[%get3A_633, %get3A_634] {strides = array<i32>} : memref<8x4096xf32, #tpu.memory_space<vmem>>, vector<1x16xf32>,
        %get3A_636 = vector.shape_cast %get3A_635 : vector<1x16xf32> to vector<16xf32>
        %mul3A_637 = vector.broadcast %squeeze3A_629 : f32 to vector<16xf32>
        %mul3A_638 = arith.mulf %mul3A_637, %get3A_636 : vector<16xf32>
        %add3A_639 = arith.addf %add3A_543, %mul3A_638 : vector<16xf32>
        %slice3A_640 = vector.extract_strided_slice %get3A_28 {offsets = [13], sizes = [1], strides = [1]} : vector<16xf32> to vector<1xf32>
        %squeeze3A_641 = vector.extract %slice3A_640[0] : f32 from vector<1xf32>
        %add3A_642 = arith.constant 80 : i32
        %add3A_643 = arith.addi %add3A_61, %add3A_642 : i32
        %get3A_644 = arith.constant 5 : i32
        %get3A_645 = arith.index_cast %get3A_644 : i32 to index
        %get3A_646 = arith.index_cast %add3A_643 : i32 to index
        %get3A_647 = tpu.vector_load %arg6[%get3A_645, %get3A_646] {strides = array<i32>} : memref<8x4096xf32, #tpu.memory_space<vmem>>, vector<1x16xf32>,
        %get3A_648 = vector.shape_cast %get3A_647 : vector<1x16xf32> to vector<16xf32>
        %mul3A_649 = vector.broadcast %squeeze3A_641 : f32 to vector<16xf32>
        %mul3A_650 = arith.mulf %mul3A_649, %get3A_648 : vector<16xf32>
        %add3A_651 = arith.addf %add3A_555, %mul3A_650 : vector<16xf32>
        %slice3A_652 = vector.extract_strided_slice %get3A_28 {offsets = [13], sizes = [1], strides = [1]} : vector<16xf32> to vector<1xf32>
        %squeeze3A_653 = vector.extract %slice3A_652[0] : f32 from vector<1xf32>
        %add3A_654 = arith.constant 96 : i32
        %add3A_655 = arith.addi %add3A_61, %add3A_654 : i32
        %get3A_656 = arith.constant 5 : i32
        %get3A_657 = arith.index_cast %get3A_656 : i32 to index
        %get3A_658 = arith.index_cast %add3A_655 : i32 to index
        %get3A_659 = tpu.vector_load %arg6[%get3A_657, %get3A_658] {strides = array<i32>} : memref<8x4096xf32, #tpu.memory_space<vmem>>, vector<1x16xf32>,
        %get3A_660 = vector.shape_cast %get3A_659 : vector<1x16xf32> to vector<16xf32>
        %mul3A_661 = vector.broadcast %squeeze3A_653 : f32 to vector<16xf32>
        %mul3A_662 = arith.mulf %mul3A_661, %get3A_660 : vector<16xf32>
        %add3A_663 = arith.addf %add3A_567, %mul3A_662 : vector<16xf32>
        %slice3A_664 = vector.extract_strided_slice %get3A_28 {offsets = [13], sizes = [1], strides = [1]} : vector<16xf32> to vector<1xf32>
        %squeeze3A_665 = vector.extract %slice3A_664[0] : f32 from vector<1xf32>
        %add3A_666 = arith.constant 112 : i32
        %add3A_667 = arith.addi %add3A_61, %add3A_666 : i32
        %get3A_668 = arith.constant 5 : i32
        %get3A_669 = arith.index_cast %get3A_668 : i32 to index
        %get3A_670 = arith.index_cast %add3A_667 : i32 to index
        %get3A_671 = tpu.vector_load %arg6[%get3A_669, %get3A_670] {strides = array<i32>} : memref<8x4096xf32, #tpu.memory_space<vmem>>, vector<1x16xf32>,
        %get3A_672 = vector.shape_cast %get3A_671 : vector<1x16xf32> to vector<16xf32>
        %mul3A_673 = vector.broadcast %squeeze3A_665 : f32 to vector<16xf32>
        %mul3A_674 = arith.mulf %mul3A_673, %get3A_672 : vector<16xf32>
        %add3A_675 = arith.addf %add3A_579, %mul3A_674 : vector<16xf32>
        %slice3A_676 = vector.extract_strided_slice %get3A_28 {offsets = [14], sizes = [1], strides = [1]} : vector<16xf32> to vector<1xf32>
        %squeeze3A_677 = vector.extract %slice3A_676[0] : f32 from vector<1xf32>
        %add3A_678 = arith.constant 0 : i32
        %add3A_679 = arith.addi %add3A_61, %add3A_678 : i32
        %get3A_680 = arith.constant 6 : i32
        %get3A_681 = arith.index_cast %get3A_680 : i32 to index
        %get3A_682 = arith.index_cast %add3A_679 : i32 to index
        %get3A_683 = tpu.vector_load %arg6[%get3A_681, %get3A_682] {strides = array<i32>} : memref<8x4096xf32, #tpu.memory_space<vmem>>, vector<1x16xf32>,
        %get3A_684 = vector.shape_cast %get3A_683 : vector<1x16xf32> to vector<16xf32>
        %mul3A_685 = vector.broadcast %squeeze3A_677 : f32 to vector<16xf32>
        %mul3A_686 = arith.mulf %mul3A_685, %get3A_684 : vector<16xf32>
        %add3A_687 = arith.addf %add3A_591, %mul3A_686 : vector<16xf32>
        %slice3A_688 = vector.extract_strided_slice %get3A_28 {offsets = [14], sizes = [1], strides = [1]} : vector<16xf32> to vector<1xf32>
        %squeeze3A_689 = vector.extract %slice3A_688[0] : f32 from vector<1xf32>
        %add3A_690 = arith.constant 16 : i32
        %add3A_691 = arith.addi %add3A_61, %add3A_690 : i32
        %get3A_692 = arith.constant 6 : i32
        %get3A_693 = arith.index_cast %get3A_692 : i32 to index
        %get3A_694 = arith.index_cast %add3A_691 : i32 to index
        %get3A_695 = tpu.vector_load %arg6[%get3A_693, %get3A_694] {strides = array<i32>} : memref<8x4096xf32, #tpu.memory_space<vmem>>, vector<1x16xf32>,
        %get3A_696 = vector.shape_cast %get3A_695 : vector<1x16xf32> to vector<16xf32>
        %mul3A_697 = vector.broadcast %squeeze3A_689 : f32 to vector<16xf32>
        %mul3A_698 = arith.mulf %mul3A_697, %get3A_696 : vector<16xf32>
        %add3A_699 = arith.addf %add3A_603, %mul3A_698 : vector<16xf32>
        %slice3A_700 = vector.extract_strided_slice %get3A_28 {offsets = [14], sizes = [1], strides = [1]} : vector<16xf32> to vector<1xf32>
        %squeeze3A_701 = vector.extract %slice3A_700[0] : f32 from vector<1xf32>
        %add3A_702 = arith.constant 32 : i32
        %add3A_703 = arith.addi %add3A_61, %add3A_702 : i32
        %get3A_704 = arith.constant 6 : i32
        %get3A_705 = arith.index_cast %get3A_704 : i32 to index
        %get3A_706 = arith.index_cast %add3A_703 : i32 to index
        %get3A_707 = tpu.vector_load %arg6[%get3A_705, %get3A_706] {strides = array<i32>} : memref<8x4096xf32, #tpu.memory_space<vmem>>, vector<1x16xf32>,
        %get3A_708 = vector.shape_cast %get3A_707 : vector<1x16xf32> to vector<16xf32>
        %mul3A_709 = vector.broadcast %squeeze3A_701 : f32 to vector<16xf32>
        %mul3A_710 = arith.mulf %mul3A_709, %get3A_708 : vector<16xf32>
        %add3A_711 = arith.addf %add3A_615, %mul3A_710 : vector<16xf32>
        %slice3A_712 = vector.extract_strided_slice %get3A_28 {offsets = [14], sizes = [1], strides = [1]} : vector<16xf32> to vector<1xf32>
        %squeeze3A_713 = vector.extract %slice3A_712[0] : f32 from vector<1xf32>
        %add3A_714 = arith.constant 48 : i32
        %add3A_715 = arith.addi %add3A_61, %add3A_714 : i32
        %get3A_716 = arith.constant 6 : i32
        %get3A_717 = arith.index_cast %get3A_716 : i32 to index
        %get3A_718 = arith.index_cast %add3A_715 : i32 to index
        %get3A_719 = tpu.vector_load %arg6[%get3A_717, %get3A_718] {strides = array<i32>} : memref<8x4096xf32, #tpu.memory_space<vmem>>, vector<1x16xf32>,
        %get3A_720 = vector.shape_cast %get3A_719 : vector<1x16xf32> to vector<16xf32>
        %mul3A_721 = vector.broadcast %squeeze3A_713 : f32 to vector<16xf32>
        %mul3A_722 = arith.mulf %mul3A_721, %get3A_720 : vector<16xf32>
        %add3A_723 = arith.addf %add3A_627, %mul3A_722 : vector<16xf32>
        %slice3A_724 = vector.extract_strided_slice %get3A_28 {offsets = [14], sizes = [1], strides = [1]} : vector<16xf32> to vector<1xf32>
        %squeeze3A_725 = vector.extract %slice3A_724[0] : f32 from vector<1xf32>
        %add3A_726 = arith.constant 64 : i32
        %add3A_727 = arith.addi %add3A_61, %add3A_726 : i32
        %get3A_728 = arith.constant 6 : i32
        %get3A_729 = arith.index_cast %get3A_728 : i32 to index
        %get3A_730 = arith.index_cast %add3A_727 : i32 to index
        %get3A_731 = tpu.vector_load %arg6[%get3A_729, %get3A_730] {strides = array<i32>} : memref<8x4096xf32, #tpu.memory_space<vmem>>, vector<1x16xf32>,
        %get3A_732 = vector.shape_cast %get3A_731 : vector<1x16xf32> to vector<16xf32>
        %mul3A_733 = vector.broadcast %squeeze3A_725 : f32 to vector<16xf32>
        %mul3A_734 = arith.mulf %mul3A_733, %get3A_732 : vector<16xf32>
        %add3A_735 = arith.addf %add3A_639, %mul3A_734 : vector<16xf32>
        %slice3A_736 = vector.extract_strided_slice %get3A_28 {offsets = [14], sizes = [1], strides = [1]} : vector<16xf32> to vector<1xf32>
        %squeeze3A_737 = vector.extract %slice3A_736[0] : f32 from vector<1xf32>
        %add3A_738 = arith.constant 80 : i32
        %add3A_739 = arith.addi %add3A_61, %add3A_738 : i32
        %get3A_740 = arith.constant 6 : i32
        %get3A_741 = arith.index_cast %get3A_740 : i32 to index
        %get3A_742 = arith.index_cast %add3A_739 : i32 to index
        %get3A_743 = tpu.vector_load %arg6[%get3A_741, %get3A_742] {strides = array<i32>} : memref<8x4096xf32, #tpu.memory_space<vmem>>, vector<1x16xf32>,
        %get3A_744 = vector.shape_cast %get3A_743 : vector<1x16xf32> to vector<16xf32>
        %mul3A_745 = vector.broadcast %squeeze3A_737 : f32 to vector<16xf32>
        %mul3A_746 = arith.mulf %mul3A_745, %get3A_744 : vector<16xf32>
        %add3A_747 = arith.addf %add3A_651, %mul3A_746 : vector<16xf32>
        %slice3A_748 = vector.extract_strided_slice %get3A_28 {offsets = [14], sizes = [1], strides = [1]} : vector<16xf32> to vector<1xf32>
        %squeeze3A_749 = vector.extract %slice3A_748[0] : f32 from vector<1xf32>
        %add3A_750 = arith.constant 96 : i32
        %add3A_751 = arith.addi %add3A_61, %add3A_750 : i32
        %get3A_752 = arith.constant 6 : i32
        %get3A_753 = arith.index_cast %get3A_752 : i32 to index
        %get3A_754 = arith.index_cast %add3A_751 : i32 to index
        %get3A_755 = tpu.vector_load %arg6[%get3A_753, %get3A_754] {strides = array<i32>} : memref<8x4096xf32, #tpu.memory_space<vmem>>, vector<1x16xf32>,
        %get3A_756 = vector.shape_cast %get3A_755 : vector<1x16xf32> to vector<16xf32>
        %mul3A_757 = vector.broadcast %squeeze3A_749 : f32 to vector<16xf32>
        %mul3A_758 = arith.mulf %mul3A_757, %get3A_756 : vector<16xf32>
        %add3A_759 = arith.addf %add3A_663, %mul3A_758 : vector<16xf32>
        %slice3A_760 = vector.extract_strided_slice %get3A_28 {offsets = [14], sizes = [1], strides = [1]} : vector<16xf32> to vector<1xf32>
        %squeeze3A_761 = vector.extract %slice3A_760[0] : f32 from vector<1xf32>
        %add3A_762 = arith.constant 112 : i32
        %add3A_763 = arith.addi %add3A_61, %add3A_762 : i32
        %get3A_764 = arith.constant 6 : i32
        %get3A_765 = arith.index_cast %get3A_764 : i32 to index
        %get3A_766 = arith.index_cast %add3A_763 : i32 to index
        %get3A_767 = tpu.vector_load %arg6[%get3A_765, %get3A_766] {strides = array<i32>} : memref<8x4096xf32, #tpu.memory_space<vmem>>, vector<1x16xf32>,
        %get3A_768 = vector.shape_cast %get3A_767 : vector<1x16xf32> to vector<16xf32>
        %mul3A_769 = vector.broadcast %squeeze3A_761 : f32 to vector<16xf32>
        %mul3A_770 = arith.mulf %mul3A_769, %get3A_768 : vector<16xf32>
        %add3A_771 = arith.addf %add3A_675, %mul3A_770 : vector<16xf32>
        %slice3A_772 = vector.extract_strided_slice %get3A_28 {offsets = [15], sizes = [1], strides = [1]} : vector<16xf32> to vector<1xf32>
        %squeeze3A_773 = vector.extract %slice3A_772[0] : f32 from vector<1xf32>
        %add3A_774 = arith.constant 0 : i32
        %add3A_775 = arith.addi %add3A_61, %add3A_774 : i32
        %get3A_776 = arith.constant 7 : i32
        %get3A_777 = arith.index_cast %get3A_776 : i32 to index
        %get3A_778 = arith.index_cast %add3A_775 : i32 to index
        %get3A_779 = tpu.vector_load %arg6[%get3A_777, %get3A_778] {strides = array<i32>} : memref<8x4096xf32, #tpu.memory_space<vmem>>, vector<1x16xf32>,
        %get3A_780 = vector.shape_cast %get3A_779 : vector<1x16xf32> to vector<16xf32>
        %mul3A_781 = vector.broadcast %squeeze3A_773 : f32 to vector<16xf32>
        %mul3A_782 = arith.mulf %mul3A_781, %get3A_780 : vector<16xf32>
        %add3A_783 = arith.addf %add3A_687, %mul3A_782 : vector<16xf32>
        %slice3A_784 = vector.extract_strided_slice %get3A_28 {offsets = [15], sizes = [1], strides = [1]} : vector<16xf32> to vector<1xf32>
        %squeeze3A_785 = vector.extract %slice3A_784[0] : f32 from vector<1xf32>
        %add3A_786 = arith.constant 16 : i32
        %add3A_787 = arith.addi %add3A_61, %add3A_786 : i32
        %get3A_788 = arith.constant 7 : i32
        %get3A_789 = arith.index_cast %get3A_788 : i32 to index
        %get3A_790 = arith.index_cast %add3A_787 : i32 to index
        %get3A_791 = tpu.vector_load %arg6[%get3A_789, %get3A_790] {strides = array<i32>} : memref<8x4096xf32, #tpu.memory_space<vmem>>, vector<1x16xf32>,
        %get3A_792 = vector.shape_cast %get3A_791 : vector<1x16xf32> to vector<16xf32>
        %mul3A_793 = vector.broadcast %squeeze3A_785 : f32 to vector<16xf32>
        %mul3A_794 = arith.mulf %mul3A_793, %get3A_792 : vector<16xf32>
        %add3A_795 = arith.addf %add3A_699, %mul3A_794 : vector<16xf32>
        %slice3A_796 = vector.extract_strided_slice %get3A_28 {offsets = [15], sizes = [1], strides = [1]} : vector<16xf32> to vector<1xf32>
        %squeeze3A_797 = vector.extract %slice3A_796[0] : f32 from vector<1xf32>
        %add3A_798 = arith.constant 32 : i32
        %add3A_799 = arith.addi %add3A_61, %add3A_798 : i32
        %get3A_800 = arith.constant 7 : i32
        %get3A_801 = arith.index_cast %get3A_800 : i32 to index
        %get3A_802 = arith.index_cast %add3A_799 : i32 to index
        %get3A_803 = tpu.vector_load %arg6[%get3A_801, %get3A_802] {strides = array<i32>} : memref<8x4096xf32, #tpu.memory_space<vmem>>, vector<1x16xf32>,
        %get3A_804 = vector.shape_cast %get3A_803 : vector<1x16xf32> to vector<16xf32>
        %mul3A_805 = vector.broadcast %squeeze3A_797 : f32 to vector<16xf32>
        %mul3A_806 = arith.mulf %mul3A_805, %get3A_804 : vector<16xf32>
        %add3A_807 = arith.addf %add3A_711, %mul3A_806 : vector<16xf32>
        %slice3A_808 = vector.extract_strided_slice %get3A_28 {offsets = [15], sizes = [1], strides = [1]} : vector<16xf32> to vector<1xf32>
        %squeeze3A_809 = vector.extract %slice3A_808[0] : f32 from vector<1xf32>
        %add3A_810 = arith.constant 48 : i32
        %add3A_811 = arith.addi %add3A_61, %add3A_810 : i32
        %get3A_812 = arith.constant 7 : i32
        %get3A_813 = arith.index_cast %get3A_812 : i32 to index
        %get3A_814 = arith.index_cast %add3A_811 : i32 to index
        %get3A_815 = tpu.vector_load %arg6[%get3A_813, %get3A_814] {strides = array<i32>} : memref<8x4096xf32, #tpu.memory_space<vmem>>, vector<1x16xf32>,
        %get3A_816 = vector.shape_cast %get3A_815 : vector<1x16xf32> to vector<16xf32>
        %mul3A_817 = vector.broadcast %squeeze3A_809 : f32 to vector<16xf32>
        %mul3A_818 = arith.mulf %mul3A_817, %get3A_816 : vector<16xf32>
        %add3A_819 = arith.addf %add3A_723, %mul3A_818 : vector<16xf32>
        %slice3A_820 = vector.extract_strided_slice %get3A_28 {offsets = [15], sizes = [1], strides = [1]} : vector<16xf32> to vector<1xf32>
        %squeeze3A_821 = vector.extract %slice3A_820[0] : f32 from vector<1xf32>
        %add3A_822 = arith.constant 64 : i32
        %add3A_823 = arith.addi %add3A_61, %add3A_822 : i32
        %get3A_824 = arith.constant 7 : i32
        %get3A_825 = arith.index_cast %get3A_824 : i32 to index
        %get3A_826 = arith.index_cast %add3A_823 : i32 to index
        %get3A_827 = tpu.vector_load %arg6[%get3A_825, %get3A_826] {strides = array<i32>} : memref<8x4096xf32, #tpu.memory_space<vmem>>, vector<1x16xf32>,
        %get3A_828 = vector.shape_cast %get3A_827 : vector<1x16xf32> to vector<16xf32>
        %mul3A_829 = vector.broadcast %squeeze3A_821 : f32 to vector<16xf32>
        %mul3A_830 = arith.mulf %mul3A_829, %get3A_828 : vector<16xf32>
        %add3A_831 = arith.addf %add3A_735, %mul3A_830 : vector<16xf32>
        %slice3A_832 = vector.extract_strided_slice %get3A_28 {offsets = [15], sizes = [1], strides = [1]} : vector<16xf32> to vector<1xf32>
        %squeeze3A_833 = vector.extract %slice3A_832[0] : f32 from vector<1xf32>
        %add3A_834 = arith.constant 80 : i32
        %add3A_835 = arith.addi %add3A_61, %add3A_834 : i32
        %get3A_836 = arith.constant 7 : i32
        %get3A_837 = arith.index_cast %get3A_836 : i32 to index
        %get3A_838 = arith.index_cast %add3A_835 : i32 to index
        %get3A_839 = tpu.vector_load %arg6[%get3A_837, %get3A_838] {strides = array<i32>} : memref<8x4096xf32, #tpu.memory_space<vmem>>, vector<1x16xf32>,
        %get3A_840 = vector.shape_cast %get3A_839 : vector<1x16xf32> to vector<16xf32>
        %mul3A_841 = vector.broadcast %squeeze3A_833 : f32 to vector<16xf32>
        %mul3A_842 = arith.mulf %mul3A_841, %get3A_840 : vector<16xf32>
        %add3A_843 = arith.addf %add3A_747, %mul3A_842 : vector<16xf32>
        %slice3A_844 = vector.extract_strided_slice %get3A_28 {offsets = [15], sizes = [1], strides = [1]} : vector<16xf32> to vector<1xf32>
        %squeeze3A_845 = vector.extract %slice3A_844[0] : f32 from vector<1xf32>
        %add3A_846 = arith.constant 96 : i32
        %add3A_847 = arith.addi %add3A_61, %add3A_846 : i32
        %get3A_848 = arith.constant 7 : i32
        %get3A_849 = arith.index_cast %get3A_848 : i32 to index
        %get3A_850 = arith.index_cast %add3A_847 : i32 to index
        %get3A_851 = tpu.vector_load %arg6[%get3A_849, %get3A_850] {strides = array<i32>} : memref<8x4096xf32, #tpu.memory_space<vmem>>, vector<1x16xf32>,
        %get3A_852 = vector.shape_cast %get3A_851 : vector<1x16xf32> to vector<16xf32>
        %mul3A_853 = vector.broadcast %squeeze3A_845 : f32 to vector<16xf32>
        %mul3A_854 = arith.mulf %mul3A_853, %get3A_852 : vector<16xf32>
        %add3A_855 = arith.addf %add3A_759, %mul3A_854 : vector<16xf32>
        %slice3A_856 = vector.extract_strided_slice %get3A_28 {offsets = [15], sizes = [1], strides = [1]} : vector<16xf32> to vector<1xf32>
        %squeeze3A_857 = vector.extract %slice3A_856[0] : f32 from vector<1xf32>
        %add3A_858 = arith.constant 112 : i32
        %add3A_859 = arith.addi %add3A_61, %add3A_858 : i32
        %get3A_860 = arith.constant 7 : i32
        %get3A_861 = arith.index_cast %get3A_860 : i32 to index
        %get3A_862 = arith.index_cast %add3A_859 : i32 to index
        %get3A_863 = tpu.vector_load %arg6[%get3A_861, %get3A_862] {strides = array<i32>} : memref<8x4096xf32, #tpu.memory_space<vmem>>, vector<1x16xf32>,
        %get3A_864 = vector.shape_cast %get3A_863 : vector<1x16xf32> to vector<16xf32>
        %mul3A_865 = vector.broadcast %squeeze3A_857 : f32 to vector<16xf32>
        %mul3A_866 = arith.mulf %mul3A_865, %get3A_864 : vector<16xf32>
        %add3A_867 = arith.addf %add3A_771, %mul3A_866 : vector<16xf32>
        %add3A_868 = arith.constant 0 : i32
        %add3A_869 = arith.addi %add3A_61, %add3A_868 : i32
        %swap3A = arith.index_cast %add3A_869 : i32 to index
        %swap3A_870 = tpu.vector_load %arg8[%swap3A] {strides = array<i32>} : memref<4096xf32, #tpu.memory_space<vmem>>, vector<16xf32>,
        %swap3A_871 = vector.shape_cast %swap3A_870 : vector<16xf32> to vector<16xf32>
        %swap3A_872 = vector.shape_cast %add3A_783 : vector<16xf32> to vector<16xf32>
        tpu.vector_store %arg8[%swap3A], %swap3A_872 {strides = array<i32>} : memref<4096xf32, #tpu.memory_space<vmem>>, vector<16xf32>,
        %add3A_873 = arith.constant 16 : i32
        %add3A_874 = arith.addi %add3A_61, %add3A_873 : i32
        %swap3A_875 = arith.index_cast %add3A_874 : i32 to index
        %swap3A_876 = tpu.vector_load %arg8[%swap3A_875] {strides = array<i32>} : memref<4096xf32, #tpu.memory_space<vmem>>, vector<16xf32>,
        %swap3A_877 = vector.shape_cast %swap3A_876 : vector<16xf32> to vector<16xf32>
        %swap3A_878 = vector.shape_cast %add3A_795 : vector<16xf32> to vector<16xf32>
        tpu.vector_store %arg8[%swap3A_875], %swap3A_878 {strides = array<i32>} : memref<4096xf32, #tpu.memory_space<vmem>>, vector<16xf32>,
        %add3A_879 = arith.constant 32 : i32
        %add3A_880 = arith.addi %add3A_61, %add3A_879 : i32
        %swap3A_881 = arith.index_cast %add3A_880 : i32 to index
        %swap3A_882 = tpu.vector_load %arg8[%swap3A_881] {strides = array<i32>} : memref<4096xf32, #tpu.memory_space<vmem>>, vector<16xf32>,
        %swap3A_883 = vector.shape_cast %swap3A_882 : vector<16xf32> to vector<16xf32>
        %swap3A_884 = vector.shape_cast %add3A_807 : vector<16xf32> to vector<16xf32>
        tpu.vector_store %arg8[%swap3A_881], %swap3A_884 {strides = array<i32>} : memref<4096xf32, #tpu.memory_space<vmem>>, vector<16xf32>,
        %add3A_885 = arith.constant 48 : i32
        %add3A_886 = arith.addi %add3A_61, %add3A_885 : i32
        %swap3A_887 = arith.index_cast %add3A_886 : i32 to index
        %swap3A_888 = tpu.vector_load %arg8[%swap3A_887] {strides = array<i32>} : memref<4096xf32, #tpu.memory_space<vmem>>, vector<16xf32>,
        %swap3A_889 = vector.shape_cast %swap3A_888 : vector<16xf32> to vector<16xf32>
        %swap3A_890 = vector.shape_cast %add3A_819 : vector<16xf32> to vector<16xf32>
        tpu.vector_store %arg8[%swap3A_887], %swap3A_890 {strides = array<i32>} : memref<4096xf32, #tpu.memory_space<vmem>>, vector<16xf32>,
        %add3A_891 = arith.constant 64 : i32
        %add3A_892 = arith.addi %add3A_61, %add3A_891 : i32
        %swap3A_893 = arith.index_cast %add3A_892 : i32 to index
        %swap3A_894 = tpu.vector_load %arg8[%swap3A_893] {strides = array<i32>} : memref<4096xf32, #tpu.memory_space<vmem>>, vector<16xf32>,
        %swap3A_895 = vector.shape_cast %swap3A_894 : vector<16xf32> to vector<16xf32>
        %swap3A_896 = vector.shape_cast %add3A_831 : vector<16xf32> to vector<16xf32>
        tpu.vector_store %arg8[%swap3A_893], %swap3A_896 {strides = array<i32>} : memref<4096xf32, #tpu.memory_space<vmem>>, vector<16xf32>,
        %add3A_897 = arith.constant 80 : i32
        %add3A_898 = arith.addi %add3A_61, %add3A_897 : i32
        %swap3A_899 = arith.index_cast %add3A_898 : i32 to index
        %swap3A_900 = tpu.vector_load %arg8[%swap3A_899] {strides = array<i32>} : memref<4096xf32, #tpu.memory_space<vmem>>, vector<16xf32>,
        %swap3A_901 = vector.shape_cast %swap3A_900 : vector<16xf32> to vector<16xf32>
        %swap3A_902 = vector.shape_cast %add3A_843 : vector<16xf32> to vector<16xf32>
        tpu.vector_store %arg8[%swap3A_899], %swap3A_902 {strides = array<i32>} : memref<4096xf32, #tpu.memory_space<vmem>>, vector<16xf32>,
        %add3A_903 = arith.constant 96 : i32
        %add3A_904 = arith.addi %add3A_61, %add3A_903 : i32
        %swap3A_905 = arith.index_cast %add3A_904 : i32 to index
        %swap3A_906 = tpu.vector_load %arg8[%swap3A_905] {strides = array<i32>} : memref<4096xf32, #tpu.memory_space<vmem>>, vector<16xf32>,
        %swap3A_907 = vector.shape_cast %swap3A_906 : vector<16xf32> to vector<16xf32>
        %swap3A_908 = vector.shape_cast %add3A_855 : vector<16xf32> to vector<16xf32>
        tpu.vector_store %arg8[%swap3A_905], %swap3A_908 {strides = array<i32>} : memref<4096xf32, #tpu.memory_space<vmem>>, vector<16xf32>,
        %add3A_909 = arith.constant 112 : i32
        %add3A_910 = arith.addi %add3A_61, %add3A_909 : i32
        %swap3A_911 = arith.index_cast %add3A_910 : i32 to index
        %swap3A_912 = tpu.vector_load %arg8[%swap3A_911] {strides = array<i32>} : memref<4096xf32, #tpu.memory_space<vmem>>, vector<16xf32>,
        %swap3A_913 = vector.shape_cast %swap3A_912 : vector<16xf32> to vector<16xf32>
        %swap3A_914 = vector.shape_cast %add3A_867 : vector<16xf32> to vector<16xf32>
        tpu.vector_store %arg8[%swap3A_911], %swap3A_914 {strides = array<i32>} : memref<4096xf32, #tpu.memory_space<vmem>>, vector<16xf32>,
      }
      %scan3A_56 = arith.constant 32 : i32
    }
    %scan3A_21 = arith.constant 3 : i32
    "tpu.region"() ({
      %run_scoped3A = tpu.sem_alloc : memref<!tpu.dma_semaphore, #tpu.memory_space<semaphore_mem>>
      %dma_start3A_22 = arith.constant 0 : i32
      %dma_start3A_23 = tpu.memref_slice %arg4[%add3A, %dma_start3A_22] : memref<32x4096xf32, #tpu.memory_space<hbm>> -> memref<1x4096xf32, #tpu.memory_space<hbm>>
      %dma_start3A_24 = tpu.memref_squeeze %dma_start3A_23 : memref<1x4096xf32, #tpu.memory_space<hbm>> -> memref<4096xf32, #tpu.memory_space<hbm>>
      %dma_start3A_25 = arith.constant 0 : i32
      %dma_start3A_26 = tpu.memref_slice %arg4[%add3A, %dma_start3A_25] : memref<32x4096xf32, #tpu.memory_space<hbm>> -> memref<1x4096xf32, #tpu.memory_space<hbm>>
      %dma_start3A_27 = tpu.memref_squeeze %dma_start3A_26 : memref<1x4096xf32, #tpu.memory_space<hbm>> -> memref<4096xf32, #tpu.memory_space<hbm>>
      tpu.enqueue_dma source(%arg8 : memref<4096xf32, #tpu.memory_space<vmem>>) target(%dma_start3A_27 : memref<4096xf32, #tpu.memory_space<hbm>>) target_semaphore(%run_scoped3A : memref<!tpu.dma_semaphore, #tpu.memory_space<semaphore_mem>>)
      %dma_wait3A = arith.constant 0 : i32
      %dma_wait3A_28 = tpu.memref_slice %arg4[%add3A, %dma_wait3A] : memref<32x4096xf32, #tpu.memory_space<hbm>> -> memref<1x4096xf32, #tpu.memory_space<hbm>>
      %dma_wait3A_29 = tpu.memref_squeeze %dma_wait3A_28 : memref<1x4096xf32, #tpu.memory_space<hbm>> -> memref<4096xf32, #tpu.memory_space<hbm>>
      %dma_wait3A_30 = arith.constant 0 : i32
      %dma_wait3A_31 = tpu.memref_slice %arg4[%add3A, %dma_wait3A_30] : memref<32x4096xf32, #tpu.memory_space<hbm>> -> memref<1x4096xf32, #tpu.memory_space<hbm>>
      %dma_wait3A_32 = tpu.memref_squeeze %dma_wait3A_31 : memref<1x4096xf32, #tpu.memory_space<hbm>> -> memref<4096xf32, #tpu.memory_space<hbm>>
      tpu.wait_dma2 semaphore(%run_scoped3A : memref<!tpu.dma_semaphore, #tpu.memory_space<semaphore_mem>>) src(%arg8 : memref<4096xf32, #tpu.memory_space<vmem>>) dst(%dma_wait3A_32 : memref<4096xf32, #tpu.memory_space<hbm>>)
      tpu.yield
    }) : () -> ()
    return
  }
}

module attributes {stable_mosaic.version = 14 : i64} {
  func.func @_tc_body(%arg0: i32, %arg1: memref<512x1xf32, #tpu.memory_space<vmem>>, %arg2: memref<512x4096xf32, #tpu.memory_space<vmem>>, %arg3: memref<1x4096xf32, #tpu.memory_space<vmem>>, %arg4: memref<1x4096xf32, #tpu.memory_space<vmem>>) attributes {dimension_semantics = [#tpu.dimension_semantics<arbitrary>], iteration_bounds = array<i64: 5>, scalar_prefetch = 0 : i64, scratch_operands = 0 : i64, tpu.core_type = #tpu.core_type<tc>, window_params = [{transform_indices = @transform_0, window_bounds = array<i64: 512, 1>}, {transform_indices = @transform_1, window_bounds = array<i64: 512, 4096>}, {pipeline_mode = #tpu.pipeline_mode<synchronous>, transform_indices = @transform_2, window_bounds = array<i64: 1, 4096>}, {pipeline_mode = #tpu.pipeline_mode<synchronous>, transform_indices = @transform_3, window_bounds = array<i64: 1, 4096>}]} {
    %get3A = arith.constant 0 : index
    %get3A_0 = arith.constant 0 : index
    %get3A_1 = vector.load %arg1[%get3A, %get3A_0] : memref<512x1xf32, #tpu.memory_space<vmem>>, vector<512x1xf32>
    %sub3A = arith.constant 2.000000e-02 : f32
    %sub3A_2 = vector.broadcast %sub3A : f32 to vector<512x1xf32>
    %sub3A_3 = arith.subf %get3A_1, %sub3A_2 : vector<512x1xf32>
    %abs3A = math.absf %sub3A_3 : vector<512x1xf32>
    %gt3A = arith.constant 1.000000e-01 : f32
    %gt3A_4 = vector.broadcast %gt3A : f32 to vector<512x1xf32>
    %gt3A_5 = arith.cmpf ogt, %abs3A, %gt3A_4 : vector<512x1xf32>
    %jit3A = arith.constant 0.000000e+00 : f32
    %broadcast_in_dim3A = vector.broadcast %jit3A : f32 to vector<512x1xf32>
    %select_n3A = arith.select %gt3A_5, %sub3A_3, %broadcast_in_dim3A : vector<512x1xi1>, vector<512x1xf32>
    %add3A = arith.constant 2.000000e-02 : f32
    %add3A_6 = vector.broadcast %add3A : f32 to vector<512x1xf32>
    %add3A_7 = arith.addf %select_n3A, %add3A_6 : vector<512x1xf32>
    %get3A_8 = arith.constant 0 : index
    %get3A_9 = arith.constant 0 : index
    %get3A_10 = vector.load %arg2[%get3A_8, %get3A_9] : memref<512x4096xf32, #tpu.memory_space<vmem>>, vector<512x4096xf32>
    %mul3A = vector.broadcast %add3A_7 : vector<512x1xf32> to vector<512x4096xf32>
    %mul3A_11 = arith.mulf %get3A_10, %mul3A : vector<512x4096xf32>
    %reduce_sum3A = arith.constant dense<0.000000e+00> : vector<4096xf32>
    %reduce_sum3A_12 = vector.multi_reduction <add>, %mul3A_11, %reduce_sum3A [0] : vector<512x4096xf32> to vector<4096xf32>
    %broadcast_in_dim3A_13 = vector.shape_cast %reduce_sum3A_12 : vector<4096xf32> to vector<1x4096xf32>
    %eq3A = arith.constant 0 : i32
    %eq3A_14 = arith.cmpi eq, %arg0, %eq3A : i32
    %convert_element_type3A = arith.extui %eq3A_14 : i1 to i32
    %cond3A = arith.constant 0 : i32
    %cond3A_15 = arith.cmpi ne, %convert_element_type3A, %cond3A : i32
    scf.if %cond3A_15 {
      %get3A_21 = arith.constant 0 : index
      %get3A_22 = arith.constant 0 : index
      %get3A_23 = vector.load %arg3[%get3A_21, %get3A_22] : memref<1x4096xf32, #tpu.memory_space<vmem>>, vector<1x4096xf32>
      %add3A_24 = arith.addf %get3A_23, %broadcast_in_dim3A_13 : vector<1x4096xf32>
      %swap3A = arith.constant 0 : index
      %swap3A_25 = arith.constant 0 : index
      %swap3A_26 = vector.load %arg4[%swap3A, %swap3A_25] : memref<1x4096xf32, #tpu.memory_space<vmem>>, vector<1x4096xf32>
      tpu.vector_store %arg4[%swap3A, %swap3A_25], %add3A_24 {strides = array<i32>} : memref<1x4096xf32, #tpu.memory_space<vmem>>, vector<1x4096xf32>,
    } else {
    }
    %gt3A_16 = arith.constant 0 : i32
    %gt3A_17 = arith.cmpi sgt, %arg0, %gt3A_16 : i32
    %convert_element_type3A_18 = arith.extui %gt3A_17 : i1 to i32
    %cond3A_19 = arith.constant 0 : i32
    %cond3A_20 = arith.cmpi ne, %convert_element_type3A_18, %cond3A_19 : i32
    scf.if %cond3A_20 {
      %get3A_21 = arith.constant 0 : index
      %get3A_22 = arith.constant 0 : index
      %get3A_23 = vector.load %arg4[%get3A_21, %get3A_22] : memref<1x4096xf32, #tpu.memory_space<vmem>>, vector<1x4096xf32>
      %add3A_24 = arith.addf %get3A_23, %broadcast_in_dim3A_13 : vector<1x4096xf32>
      %swap3A = arith.constant 0 : index
      %swap3A_25 = arith.constant 0 : index
      %swap3A_26 = vector.load %arg4[%swap3A, %swap3A_25] : memref<1x4096xf32, #tpu.memory_space<vmem>>, vector<1x4096xf32>
      tpu.vector_store %arg4[%swap3A, %swap3A_25], %add3A_24 {strides = array<i32>} : memref<1x4096xf32, #tpu.memory_space<vmem>>, vector<1x4096xf32>,
    } else {
    }
    return
  }
  func.func @transform_0(%arg0: i32) -> (i32, i32) {
    %c0_i32 = arith.constant 0 : i32
    %c0_i32_0 = arith.constant 0 : i32
    return %arg0, %c0_i32 : i32, i32
  }
  func.func @transform_1(%arg0: i32) -> (i32, i32) {
    %c0_i32 = arith.constant 0 : i32
    %c0_i32_0 = arith.constant 0 : i32
    return %arg0, %c0_i32 : i32, i32
  }
  func.func @transform_2(%arg0: i32) -> (i32, i32) {
    %c0_i32 = arith.constant 0 : i32
    %c0_i32_0 = arith.constant 0 : i32
    %c0_i32_1 = arith.constant 0 : i32
    return %c0_i32, %c0_i32_0 : i32, i32
  }
  func.func @transform_3(%arg0: i32) -> (i32, i32) {
    %c0_i32 = arith.constant 0 : i32
    %c0_i32_0 = arith.constant 0 : i32
    %c0_i32_1 = arith.constant 0 : i32
    return %c0_i32, %c0_i32_0 : i32, i32
  }
}

</mosaic_0001>

<sc_bundles>
// kernel: kernel.4.cloned.1.call-start
scs
__scs_entry_jumppad:
0x0: {  	(pc) =	sbr.rel $0x88, $3  }
0x1: {  	(tag) =	ssettag $0x0;
	lr =	simm.s32 $0x1  }
0x2: {  	[smem:$0x3F9E] =	sst lr;
	_ =	strace $0xD0000000  }
0x3: {  	_ = 	snop  }
0x4: {  	_ = 	snop  }
0x5: {  	_ = 	snop  }
0x6: {  	_ = 	snop  }
0x7: {  	_ = 	snop  }
__scs_overlays_trampoline_lowered:
0x8: {  	[smem:$0x3FAD] =	sst s0  }
0x9: {  	[smem:$0x3FAE] =	sst s1  }
0xa: {  	[smem:$0x3FAF] =	sst s2  }
0xb: {  	[smem:$0x3FB0] =	sst s3  }
0xc: {  	[smem:$0x3FB1] =	sst s4  }
0xd: {  	[smem:$0x3FB2] =	sst s5  }
0xe: {  	[smem:$0x3FB3] =	sst s6  }
0xf: {  	[smem:$0x3FB4] =	sst s7  }
0x10: {  	[smem:$0x3FB5] =	sst s8  }
0x11: {  	[smem:$0x3FB6] =	sst s9;
	s0 =	simm.s32 @!p0 $0x0  }
0x12: {  	s1 =	sld [smem:$0x3F9C];
	s0 =	simm.s32 @p0 $0x1  }
0x13: {  	[smem:$0x3FB7] =	sst s0;
	s0 =	simm.s32 @!p1 $0x0  }
0x14: {  	s2 =	sld [smem:$0x3F9B];
	s0 =	simm.s32 @p1 $0x1  }
0x15: {  	[smem:$0x3FB8] =	sst s0;
	s0 =	simm.s32 @!p2 $0x0  }
0x16: {  	s3 =	sld [smem:$0x3FDB];
	s0 =	simm.s32 @p2 $0x1  }
0x17: {  	s4 =	simm.s32 $0x1BF5;
	[smem:$0x3FBA] =	sst s0  }
0x18: {  	s0 =	sld [smem:$0x3F9D];
	_ =	swait.ge [sflag:s4], $0x0  }
0x19: {  	s7 =	sld [smem:$0x3F9E]  }
0x1a: {  	s8 =	sadd.s32 $0xFFFFE003, lr  }
0x1b: {  	s9 =	sadd.s32 $0xFFFFFEF7, lr;
	s5 =	simm.s32 $0xFFFFFFFF;
	p2 =	slt.u32 s8, $0xFFFFF086  }
0x1c: {  	p1 =	slt.u32 s9, $0xF7A;
	s5 =	simm.s32 @!p2 $0x0  }
0x1d: {  	s5 =	simm.s32 @p1 $0x1;
	p0 =	seq.s32 s7, s2  }
0x1e: {  	s7 =	smul.u32 @!p0 $0xF7A, s2;
	p2 =	seq.s32 @!p0 s5, $0x0  }
0x1f: {  	s9 =	smul.u32 $0xF7A, s1;
	s8 =	simm.s32 @!p0 $0x1BF5;
	p2 =	por !p2, p0  }
0x20: {  	[sflag:s8] =	ssyncset.s32 @!p0 $0xFFFFF086;
	s6 =	sadd.s32 @!p0 s3, s7;
	s7 =	simm.s32 @!p0 $0x108  }
0x21: {  	s3 =	sadd.s32 s3, s9;
	s6 =	sadd.s32 @!p0 $0x88, s6;
	s7 =	simm.s32 @p2 $0x1082  }
0x22: {  	[simem:s7], [sflag:s8] =	dma.local @!p0 [hbm:s6], $0xF7A  }
0x23: {  	s9 =	sor.u32 $0xD0000000, s2;
	s6 =	simm.s32 $0x108;
	_ =	swait.ge @!p0 [sflag:s8], $0x0  }
0x24: {  	s3 =	sadd.s32 $0x88, s3;
	s6 =	simm.s32 @!p1 $0x1082;
	[sflag:s4] =	ssyncset.s32 $0xFFFFF086  }
0x25: {  	[simem:s6], [sflag:s4] =	dma.local [hbm:s3], $0xF7A  }
0x26: {  	[smem:$0x3F9E] =	sst s1;
	(tag) =	ssettag s2;
	_ =	strace s9  }
0x27: {  	s1 =	sld [smem:$0x3FAE]  }
0x28: {  	s2 =	sld [smem:$0x3FAF]  }
0x29: {  	s4 =	sld [smem:$0x3FB1]  }
0x2a: {  	p0 =	seq.s32 s5, $0x0;
	s5 =	sld [smem:$0x3FB2]  }
0x2b: {  	s6 =	sld [smem:$0x3FB3]  }
0x2c: {  	s7 =	sld [smem:$0x3FB4]  }
0x2d: {  	s3 =	simm.s32 $0x108;
	s8 =	sld [smem:$0x3FB5]  }
0x2e: {  	s3 =	simm.s32 @!p0 $0x1082;
	s9 =	sld [smem:$0x3FB6]  }
0x2f: {  	lr =	sadd.s32 s0, s3;
	s0 =	sld [smem:$0x3FAD]  }
0x30: {  	s3 =	sld [smem:$0x3FB0]  }
0x31: {  	[smem:$0x3FB9] =	sst s10  }
0x32: {  	s10 =	sld [smem:$0x3FB7];
	_ =	sdelay $0x3  }
0x33: {  	p0 =	seq.s32 s10, $0x1;
	s10 =	sld [smem:$0x3FB9];
	_ =	sdelay $0x3  }
0x34: {  	[smem:$0x3FB9] =	sst s10  }
0x35: {  	s10 =	sld [smem:$0x3FB8];
	_ =	sdelay $0x3  }
0x36: {  	p1 =	seq.s32 s10, $0x1;
	s10 =	sld [smem:$0x3FB9];
	_ =	sdelay $0x3  }
0x37: {  	[smem:$0x3FB9] =	sst s10  }
0x38: {  	s10 =	sld [smem:$0x3FBA]  }
0x39: {  	_ = 	snop;
	(pc) =	sbr.ind lr, $3  }
0x3a: {  	_ = 	snop  }
0x3b: {  	_ = 	snop  }
0x3c: {  	p2 =	seq.s32 s10, $0x1;
	s10 =	sld [smem:$0x3FB9]  }
0x3d: {  	_ =	shalt  }
0x3e: {  	_ =	shalt  }
0x3f: {  	_ =	shalt  }
0x40: {  	_ =	shalt  }
0x41: {  	_ =	shalt  }
0x42: {  	_ =	shalt  }
0x43: {  	_ =	shalt  }
0x44: {  	_ =	shalt  }
0x45: {  	_ =	shalt  }
0x46: {  	_ =	shalt  }
0x47: {  	_ =	shalt  }
0x48: {  	_ =	shalt  }
0x49: {  	_ =	shalt  }
0x4a: {  	_ =	shalt  }
0x4b: {  	_ =	shalt  }
0x4c: {  	_ =	shalt  }
0x4d: {  	_ =	shalt  }
0x4e: {  	_ =	shalt  }
0x4f: {  	_ =	shalt  }
0x50: {  	_ =	shalt  }
0x51: {  	_ =	shalt  }
0x52: {  	_ =	shalt  }
0x53: {  	_ =	shalt  }
0x54: {  	_ =	shalt  }
0x55: {  	_ =	shalt  }
0x56: {  	_ =	shalt  }
0x57: {  	_ =	shalt  }
0x58: {  	_ =	shalt  }
0x59: {  	_ =	shalt  }
0x5a: {  	_ =	shalt  }
0x5b: {  	_ =	shalt  }
0x5c: {  	_ =	shalt  }
0x5d: {  	_ =	shalt  }
0x5e: {  	_ =	shalt  }
0x5f: {  	_ =	shalt  }
0x60: {  	_ =	shalt  }
0x61: {  	_ =	shalt  }
0x62: {  	_ =	shalt  }
0x63: {  	_ =	shalt  }
0x64: {  	_ =	shalt  }
0x65: {  	_ =	shalt  }
0x66: {  	_ =	shalt  }
0x67: {  	_ =	shalt  }
0x68: {  	_ =	shalt  }
0x69: {  	_ =	shalt  }
0x6a: {  	_ =	shalt  }
0x6b: {  	_ =	shalt  }
0x6c: {  	_ =	shalt  }
0x6d: {  	_ =	shalt  }
0x6e: {  	_ =	shalt  }
0x6f: {  	_ =	shalt  }
0x70: {  	_ =	shalt  }
0x71: {  	_ =	shalt  }
0x72: {  	_ =	shalt  }
0x73: {  	_ =	shalt  }
0x74: {  	_ =	shalt  }
0x75: {  	_ =	shalt  }
0x76: {  	_ =	shalt  }
0x77: {  	_ =	shalt  }
0x78: {  	_ =	shalt  }
0x79: {  	_ =	shalt  }
0x7a: {  	_ =	shalt  }
0x7b: {  	_ =	shalt  }
0x7c: {  	_ =	shalt  }
0x7d: {  	_ =	shalt  }
0x7e: {  	_ =	shalt  }
0x7f: {  	_ =	shalt  }
0x80: {  	_ =	shalt  }
0x81: {  	_ =	shalt  }
0x82: {  	_ =	shalt  }
0x83: {  	_ =	shalt  }
0x84: {  	_ =	shalt  }
0x85: {  	_ =	shalt  }
0x86: {  	_ =	shalt  }
0x87: {  	_ =	shalt  }
.Lfunc_end0:
.L_simem_size_0:
called_computation_lowered:
.L_overlay_start_0:
0x88: {  	s2 =	sld [smem:$0x3FD9]  }
0x89: {  	s3 =	sld [smem:$0x3FFE];
	_ =	sdelay $0x1  }
0x8a: {  	s1 =	srdreg.scid  }
0x8b: {  	s0 =	sand.u32 $0x1, s1  }
0x8c: {  	s17 =	sshll.u32 s0, $0xA;
	s2 =	sadd.s32 s3, s2  }
0x8d: {  	s2 =	sadd.s32 s2, s17  }
0x8e: {  	[smem:$0x3FC5] =	sst s2  }
0x8f: {  	_ = 	snop  }
0x90: {  	s2 =	sld [smem:$0x3FC9]  }
0x91: {  	s18 =	sld [smem:$0x3FC8];
	(tm) =	ssettm $0x1  }
0x92: {  	s4 =	sld [smem:$0x3FFB];
	_ =	sdelay $0x3  }
0x93: {  	_ =	strace s4  }
0x94: {  	s4 =	sld [smem:$0x3FFC];
	_ =	sdelay $0x3  }
0x95: {  	_ =	strace s4  }
0x96: {  	s4 =	sld [smem:$0x3FFD];
	_ =	sdelay $0x3  }
0x97: {  	_ =	strace s4  }
0x98: {  	_ =	strace $0x8FFFFFFF  }
0x99: {  	s19 =	sld [smem:$0x3FDB];
	_ =	sdelay $0x1  }
0x9a: {  	s5 =	simm.s32 $_scs_section_size  }
0x9b: {  	s6 =	simm.s32 $_size__tile_overlayer_lowered;
	s7 =	simm.s32 $_tile_overlayer_lowered  }
0x9c: {  	s22 =	simm.s32 $0x1BFF;
	s21 =	sshll.u32 s7, $0x1;
	s4 =	sadd.s32 s5, s19  }
0x9d: {  	s8 =	simm.s32 $0x0;
	s20 =	sshll.u32 s6, $0x1;
	s6 =	sadd.s32 s21, s4  }
0x9e: {  	[timem:s8], [sflag:s22] =	dma.local [hbm:s6], s20  }
0x9f: {  	_ =	swait.ge [sflag:s22], s20  }
0xa0: {  	s5 =	ssub.s32 $0x0, s20;
	[sflag:s22] =	ssyncset.done $0x0  }
0xa1: {  	[sflag:s22] =	ssyncadd.s32 s5;
	_ =	sdelay $0x1  }
0xa2: {  	s23 =	simm.s32 $0x1B8B  }
0xa3: {  	_ =	swait.ge [sflag:s23], $0x1  }
0xa4: {  	[sflag:s23] =	ssyncset.done $0x0  }
0xa5: {  	s25 =	simm.s32 $0x1B8E;
	s24 =	sld [smem:$0x3FFE];
	[sflag:s23] =	ssyncadd.s32 $0xFFFFFFFF  }
0xa6: {  	s26 =	simm.s32 $execute0_lowered;
	[smem:$0x3FD2] =	sst s25  }
0xa7: {  	s6 =	sshll.u32 s26, $0x1;
	_ =	strace $0x80000046;
	[dreg:$0x1] =	wrdreg $0xFFFFFFFF  }
0xa8: {  	s28 =	simm.s32 $_size_execute0_lowered;
	s4 =	sadd.s32 s4, s6;
	[dreg:$0x0] =	wrdreg $0x0  }
0xa9: {  	s6 =	sshll.u32 s28, $0x1;
	[dreg:$0x2] =	wrdreg s4  }
0xaa: {  	[dreg:$0x3] =	wrdreg s6  }
0xab: {  	[dreg:$0x4] =	wrdreg $0xC0  }
0xac: {  	_ =	task [dreg:s8], $0x5FFFF  }
0xad: {  	[dreg:$0x1] =	wrdreg $0xFFFFFFFF  }
0xae: {  	[dreg:$0x0] =	wrdreg $0x60  }
0xaf: {  	[dreg:$0x2] =	wrdreg s18  }
0xb0: {  	[dreg:$0x3] =	wrdreg s2  }
0xb1: {  	[dreg:$0x4] =	wrdreg s24  }
0xb2: {  	[dreg:$0x5] =	wrdreg $0x9  }
0xb3: {  	_ =	task.clear_ibuf [dreg:s8], $0x6FFFF;
	_ =	strace $0x90000046  }
0xb4: {  	s29 =	simm.s32 $0x9;
	_ =	strace $0x80000048  }
0xb5: {  	_ =	swait.ge [sflag:s29], $0x1  }
0xb6: {  	[sflag:s29] =	ssyncadd.s32 $0xFFFFFFFF  }
0xb7: {  	_ =	strace $0x90000048  }
0xb8: {  	_ =	sfence  }
0xb9: {  	s30 =	sld [smem:$0x0];
	_ =	sdelay $0x2  }
0xba: {  	s31 =	sshll.u32 s1, $0xD;
	s1 =	sshrl.u32 s1, $0x2  }
0xbb: {  	s3 =	sand.u32 $0x4000, s31;
	s1 =	sadd.s32 s1, s30  }
0xbc: {  	s0 =	sor.u32 s3, s0;
	s1 =	sshll.u32 s1, $0x11  }
0xbd: {  	s0 =	sor.u32 s1, s0  }
0xbe: {  	s0 =	sadd.s32 $0x8F2B, s0  }
0xbf: {  	[sflag:s0] =	ssyncadd.remote.s32 $0x1  }
0xc0: {  	_ =	sfence.sel $0xFFFF  }
0xc1: {  	[dreg:$0x0] =	wrdreg $0xFFFFFFFF;
	(pc) =	sbr.abs _section_cstart, $3  }
0xc2: {  	[dreg:$0x1] =	wrdreg $0xFFFFFFFF  }
0xc3: {  	_ =	task.clear_ibuf [dreg:s8], $0x2FFFF;
	_ =	strace $0x9FFFFFFF  }
0xc4: {  	(tm) =	ssettm $0x7FFFFFFF  }
0xc5: {  	_ =	shalt  }
tec
execute0_lowered:
.L_overlay_start_1:
0x0: {  	(tag) =	ssettag $0x1  }
0x1: {  	s7 =	rddreg [dreg:$0x0]  }
0x2: {  	s4 =	rddreg [dreg:$0x1]  }
0x3: {  	s0 =	stileid.u32;
	s1 =	srdreg.scid  }
0x4: {  	s3 =	rddreg [dreg:$0x2];
	s2 =	simm.s32 $0x0;
	s11 =	simm.s32 $0x3  }
0x5: {  	s12 =	simm.s32 $0x8000;
	s13 =	simm.s32 $0x1;
	s14 =	simm.s32 $0x2  }
0x6: {  	s15 =	simm.s32 $0x80;
	s16 =	simm.s32 $0x400;
	s17 =	simm.s32 $0x10080  }
0x7: {  	s18 =	simm.s32 $0x0;
	s5 =	sand.u32 $0x1, s1;
	s1 =	rddreg [dreg:$0x3]  }
0x8: {  	s6 =	sshll.u32 s0, $0x1;
	[smem:$0x7FF] =	sst s2;
	s8 =	sshll.u32 s0, $0xA  }
0x9: {  	s6 =	sor.u32 s5, s6;
	_ =	strace $0x80000047;
	s5 =	ssub.s32 $0x2, s5  }
0xa: {  	s8 =	sand.u32 $0x3000, s8;
	s9 =	smul.u32 $0x30, s6;
	s10 =	sshrl.u32 s5, $0x1  }
0xb: {  	s8 =	sadd.s32 s8, s3;
	s6 =	sshll.u32 s6, $0x4;
	s28 =	ssub.s32 s5, s10  }
0xc: {  	s31 =	sand.u32 $0x70, s6;
	s6 =	sadd.s32 $0x1000, s7;
	s10 =	simm.s32 $0x10000  }
0xd: {  	s3 =	sadd.s32 $0xA00, s9;
	s8 =	sadd.s32 s31, s8;
	s9 =	smax.u32 s28, $0x1  }
0xe: {  	s29 =	sshrl.u32 s3, $0x3;
	s30 =	sshll.u32 s3, $0x9;
	s8 =	sadd.s32 $0x400, s8  }
0xf: {  	v0 =	vimm.f32 $0.0e+00;
	s4 =	sadd.s32 s4, s29;
	s5 =	sadd.s32 s7, s30;
	s7 =	sadd.s32 $0x2000, s7  }
.LBB2_1:
0x10: {  	[tilespmem:s10], [sflag:$0x3] =	stream.linear.gather [hbm4b:s4+s2], $0x30, $0x38;
	[tilespmem:$0x11080] =	vst v63  }
0x11: {  	_ =	swait.ge [sflag:s11], $0x30  }
0x12: {  	[sflag:s11] =	ssyncset.done $0x0  }
0x13: {  	[sflag:s11] =	ssyncadd.s32 $0xFFFFFFD0  }
0x14: {  	v1 =	vld [tilespmem:$0x10000]  }
0x15: {  	v2 =	vld [tilespmem:$0x10010]  }
0x16: {  	v3 =	vld [tilespmem:$0x10020];
	_ =	sdelay $0x3  }
0x17: {  	v1 =	vadd.f32 $-1.999999960e-02, v1;
	v2 =	vadd.f32 $-1.999999960e-02, v2  }
0x18: {  	v3 =	vadd.f32 $-1.999999960e-02, v3  }
0x19: {  	v4 =	vand.u32 $0x7FFFFFFF, v1;
	v1 =	vadd.f32 $1.999999960e-02, v1;
	v62 =	vand.u32 $0x7FFFFFFF, v2  }
0x1a: {  	v2 =	vadd.f32 $1.999999960e-02, v2;
	v63 =	vand.u32 $0x7FFFFFFF, v3;
	vm0 =	vgt.f32 v4, $1.000000010e-01  }
0x1b: {  	v3 =	vadd.f32 $1.999999960e-02, v3;
	vm14 =	vgt.f32 v62, $1.000000010e-01;
	v1 =	vnsel vm0, $0x3CA3D70A, v1  }
0x1c: {  	vm15 =	vgt.f32 v63, $1.000000010e-01;
	[tilespmem:$0x10000] =	vst v1;
	v1 =	vnsel vm14, $0x3CA3D70A, v2  }
0x1d: {  	[tilespmem:$0x10010] =	vst v1;
	v1 =	vnsel vm15, $0x3CA3D70A, v3  }
0x1e: {  	s19 =	simm.s32 $0x40;
	s20 =	simm.s32 $0x0;
	[tilespmem:$0x10020] =	vst v1  }
.LBB2_2:
0x1f: {  	p0 =	sne.s32 s19, $0x3FC0;
	[tilespmem:s20+$0x10080] =	vst v0;
	s20 =	smov.u32 s19;
	s19 =	sadd.s32 $0x40, s19  }
.Ltmp0:
0x20: {  	(pc) =	sbr.rel @p0 .LBB2_2-.Ltmp0, $2  }
0x21: {  	_ =	sdelay $0x2  }
0x22: {  	s20 =	sshra.s32 s20, $0x2  }
0x23: {  	[tilespmem:s20+$0x10080] =	vst v0;
	s19 =	simm.s32 $0x0;
	s20 =	simm.s32 $0x0  }
0x24: {  	[tilespmem:s19], [sflag:$0x1] =	stream.linear.gather [hbm4b:s5+s19], $0x8000, $0x38;
	[tilespmem:$0x11080] =	vst v63  }
.LBB2_4:
0x25: {  	s21 =	sshll.u32 s20, $0x4  }
0x26: {  	v1 =	vld [tilespmem:s21+$0x10000]  }
0x27: {  	s21 =	sadd.s32 s3, s21  }
0x28: {  	s21 =	sshll.u32 s21, $0x9  }
0x29: {  	s22 =	sand.u32 $0x1FFFE000, s21  }
0x2a: {  	s22 =	sadd.s32 s22, s6  }
0x2b: {  	[tilespmem:s12], [sflag:$0x2] =	stream.linear.gather [hbm4b:s22+s19], $0x8000, $0x38;
	v2 =	vbroadcast v1, $0x0;
	v3 =	vbroadcast v1, $0x1;
	[tilespmem:$0x11080] =	vst v63  }
0x2c: {  	_ =	swait.ge [sflag:s13], $0x8000;
	v4 =	vbroadcast v1, $0x2;
	v5 =	vbroadcast v1, $0x3  }
0x2d: {  	v6 =	vbroadcast v1, $0x4;
	v7 =	vbroadcast v1, $0x5;
	[sflag:s13] =	ssyncset.done $0x0  }
0x2e: {  	s23 =	simm.s32 $0x0;
	s22 =	simm.s32 $0x200;
	v8 =	vbroadcast v1, $0x6;
	v9 =	vbroadcast v1, $0x7;
	[sflag:s13] =	ssyncadd.s32 $0xFFFF8000  }
.LBB2_5:
0x2f: {  	v18 =	vld [tilespmem:s22+$0xFFFFFE00]  }
0x30: {  	v19 =	vld [tilespmem:s22+$0xFFFFFE10]  }
0x31: {  	v20 =	vld [tilespmem:s22+$0xFFFFFE20]  }
0x32: {  	v21 =	vld [tilespmem:s22+$0xFFFFFE30]  }
0x33: {  	v22 =	vld [tilespmem:s22+$0xFFFFFE40]  }
0x34: {  	v23 =	vld [tilespmem:s22+$0xFFFFFE50]  }
0x35: {  	v24 =	vld [tilespmem:s22+$0xFFFFFE60]  }
0x36: {  	v25 =	vld [tilespmem:s22+$0xFFFFFE70]  }
0x37: {  	v26 =	vld [tilespmem:s22+$0xFFFFFE80]  }
0x38: {  	v27 =	vld [tilespmem:s22+$0xFFFFFE90]  }
0x39: {  	v28 =	vld [tilespmem:s22+$0xFFFFFEA0]  }
0x3a: {  	v29 =	vld [tilespmem:s22+$0xFFFFFEB0]  }
0x3b: {  	v30 =	vld [tilespmem:s22+$0xFFFFFEC0]  }
0x3c: {  	v31 =	vld [tilespmem:s22+$0xFFFFFED0]  }
0x3d: {  	v32 =	vld [tilespmem:s22+$0xFFFFFEE0]  }
0x3e: {  	v33 =	vld [tilespmem:s22+$0xFFFFFEF0]  }
0x3f: {  	v34 =	vld [tilespmem:s22+$0xFFFFFF00]  }
0x40: {  	v35 =	vld [tilespmem:s22+$0xFFFFFF10]  }
0x41: {  	v36 =	vld [tilespmem:s22+$0xFFFFFF20]  }
0x42: {  	v37 =	vld [tilespmem:s22+$0xFFFFFF30]  }
0x43: {  	v38 =	vld [tilespmem:s22+$0xFFFFFF40]  }
0x44: {  	v39 =	vld [tilespmem:s22+$0xFFFFFF50]  }
0x45: {  	v40 =	vld [tilespmem:s22+$0xFFFFFF60]  }
0x46: {  	v41 =	vld [tilespmem:s22+$0xFFFFFF70]  }
0x47: {  	v42 =	vld [tilespmem:s22+$0xFFFFFF80]  }
0x48: {  	v43 =	vld [tilespmem:s22+$0xFFFFFF90]  }
0x49: {  	v44 =	vld [tilespmem:s22+$0xFFFFFFA0]  }
0x4a: {  	s24 =	sshra.s32 s23, $0x2;
	v45 =	vld [tilespmem:s22+$0xFFFFFFB0]  }
0x4b: {  	v10 =	vld [tilespmem:s24+$0x10080]  }
0x4c: {  	v11 =	vld [tilespmem:s24+$0x10090]  }
0x4d: {  	v12 =	vld [tilespmem:s24+$0x100A0]  }
0x4e: {  	v13 =	vld [tilespmem:s24+$0x100B0]  }
0x4f: {  	v14 =	vld [tilespmem:s24+$0x100C0];
	v18 =	vmul.f32 v18, v2;
	v19 =	vmul.f32 v19, v2  }
0x50: {  	v15 =	vld [tilespmem:s24+$0x100D0];
	v20 =	vmul.f32 v20, v2;
	v59 =	vmul.f32 v21, v2  }
0x51: {  	v16 =	vld [tilespmem:s24+$0x100E0];
	v60 =	vmul.f32 v22, v2;
	v61 =	vmul.f32 v23, v2  }
0x52: {  	v17 =	vld [tilespmem:s24+$0x100F0];
	v62 =	vmul.f32 v24, v2;
	v63 =	vmul.f32 v25, v2  }
0x53: {  	v22 =	vld [tilespmem:s22+$0xFFFFFFD0];
	v46 =	vmul.f32 v26, v3;
	v47 =	vmul.f32 v27, v3  }
0x54: {  	v24 =	vld [tilespmem:s22+$0xFFFFFFE0];
	v48 =	vmul.f32 v28, v3;
	v49 =	vmul.f32 v29, v3  }
0x55: {  	v21 =	vld [tilespmem:s22+$0xFFFFFFF0];
	v50 =	vmul.f32 v30, v3;
	v51 =	vmul.f32 v31, v3  }
0x56: {  	v23 =	vld [tilespmem:s22+$0x0];
	v52 =	vmul.f32 v32, v3;
	v53 =	vmul.f32 v33, v3  }
0x57: {  	v26 =	vld [tilespmem:s22+$0x10];
	v54 =	vmul.f32 v34, v4;
	v55 =	vmul.f32 v35, v4  }
0x58: {  	v28 =	vld [tilespmem:s22+$0x20];
	v56 =	vmul.f32 v36, v4;
	v10 =	vadd.f32 v18, v10;
	v11 =	vadd.f32 v19, v11  }
0x59: {  	v25 =	vld [tilespmem:s22+$0x30];
	v57 =	vmul.f32 v37, v4;
	v12 =	vadd.f32 v20, v12;
	v13 =	vadd.f32 v59, v13  }
0x5a: {  	v27 =	vld [tilespmem:s22+$0x40];
	v58 =	vmul.f32 v38, v4;
	v14 =	vadd.f32 v60, v14;
	v15 =	vadd.f32 v61, v15  }
0x5b: {  	v30 =	vld [tilespmem:s22+$0x50];
	v16 =	vadd.f32 v62, v16;
	v59 =	vmul.f32 v39, v4;
	v60 =	vmul.f32 v40, v4  }
0x5c: {  	v32 =	vld [tilespmem:s22+$0x60];
	v17 =	vadd.f32 v63, v17;
	v61 =	vmul.f32 v41, v4;
	v62 =	vmul.f32 v42, v5  }
0x5d: {  	v29 =	vld [tilespmem:s22+$0x70];
	v63 =	vmul.f32 v43, v5;
	v10 =	vadd.f32 v46, v10;
	v11 =	vadd.f32 v47, v11  }
0x5e: {  	v31 =	vld [tilespmem:s22+$0x80];
	v40 =	vmul.f32 v44, v5;
	v12 =	vadd.f32 v48, v12;
	v13 =	vadd.f32 v49, v13  }
0x5f: {  	v36 =	vld [tilespmem:s22+$0xA0];
	v42 =	vmul.f32 v45, v5;
	v14 =	vadd.f32 v50, v14;
	v15 =	vadd.f32 v51, v15  }
0x60: {  	v34 =	vld [tilespmem:s22+$0x90];
	v16 =	vadd.f32 v52, v16;
	v44 =	vmul.f32 v22, v5;
	v46 =	vmul.f32 v24, v5  }
0x61: {  	v19 =	vld [tilespmem:s22+$0xFFFFFFC0];
	v17 =	vadd.f32 v53, v17;
	v21 =	vmul.f32 v21, v5;
	v48 =	vmul.f32 v23, v6  }
0x62: {  	v41 =	vld [tilespmem:s22+$0xB0];
	v50 =	vmul.f32 v26, v6;
	v52 =	vmul.f32 v28, v6;
	v10 =	vadd.f32 v54, v10  }
0x63: {  	v43 =	vld [tilespmem:s22+$0xC0];
	v53 =	vmul.f32 v25, v6;
	v11 =	vadd.f32 v55, v11;
	v12 =	vadd.f32 v56, v12  }
0x64: {  	v45 =	vld [tilespmem:s22+$0xD0];
	v37 =	vmul.f32 v36, v7;
	v13 =	vadd.f32 v57, v13;
	v14 =	vadd.f32 v58, v14  }
0x65: {  	v39 =	vld [tilespmem:s22+$0x160];
	v15 =	vadd.f32 v59, v15;
	v16 =	vadd.f32 v60, v16;
	v55 =	vmul.f32 v27, v6  }
0x66: {  	v47 =	vld [tilespmem:s22+$0xE0];
	v17 =	vadd.f32 v61, v17;
	v56 =	vmul.f32 v30, v6;
	v58 =	vmul.f32 v32, v6  }
0x67: {  	v49 =	vld [tilespmem:s22+$0xF0];
	v60 =	vmul.f32 v29, v6;
	v10 =	vadd.f32 v62, v10;
	v11 =	vadd.f32 v63, v11  }
0x68: {  	v51 =	vld [tilespmem:s22+$0x100];
	v19 =	vmul.f32 v19, v5;
	v12 =	vadd.f32 v40, v12;
	v13 =	vadd.f32 v42, v13  }
0x69: {  	v54 =	vld [tilespmem:s22+$0x110];
	v38 =	vmul.f32 v41, v7;
	v15 =	vadd.f32 v44, v15;
	v16 =	vadd.f32 v46, v16  }
0x6a: {  	v57 =	vld [tilespmem:s22+$0x120];
	v17 =	vadd.f32 v21, v17;
	v62 =	vmul.f32 v31, v7;
	v63 =	vmul.f32 v34, v7  }
0x6b: {  	v59 =	vld [tilespmem:s22+$0x130];
	v40 =	vmul.f32 v43, v7;
	v42 =	vmul.f32 v45, v7;
	v14 =	vadd.f32 v19, v14  }
0x6c: {  	v61 =	vld [tilespmem:s22+$0x140];
	v44 =	vmul.f32 v47, v7;
	v10 =	vadd.f32 v48, v10;
	v11 =	vadd.f32 v50, v11  }
0x6d: {  	v41 =	vld [tilespmem:s22+$0x170];
	v20 =	vmul.f32 v49, v7;
	v12 =	vadd.f32 v52, v12;
	v13 =	vadd.f32 v53, v13  }
0x6e: {  	v43 =	vld [tilespmem:s22+$0x180];
	v46 =	vmul.f32 v51, v8;
	v15 =	vadd.f32 v56, v15;
	v16 =	vadd.f32 v58, v16  }
0x6f: {  	v34 =	vld [tilespmem:s22+$0x150];
	v17 =	vadd.f32 v60, v17;
	v14 =	vadd.f32 v55, v14;
	v47 =	vmul.f32 v54, v8  }
0x70: {  	v45 =	vld [tilespmem:s22+$0x190];
	v49 =	vmul.f32 v57, v8;
	v10 =	vadd.f32 v62, v10;
	v11 =	vadd.f32 v63, v11  }
0x71: {  	v48 =	vld [tilespmem:s22+$0x1A0];
	v51 =	vmul.f32 v59, v8;
	v12 =	vadd.f32 v37, v12;
	v13 =	vadd.f32 v38, v13  }
0x72: {  	v50 =	vld [tilespmem:s22+$0x1B0];
	v53 =	vmul.f32 v61, v8;
	v15 =	vadd.f32 v42, v15;
	v16 =	vadd.f32 v44, v16  }
0x73: {  	v52 =	vld [tilespmem:s22+$0x1C0];
	v17 =	vadd.f32 v20, v17;
	v14 =	vadd.f32 v40, v14;
	v22 =	vmul.f32 v43, v9  }
0x74: {  	v54 =	vld [tilespmem:s22+$0x1D0];
	v55 =	vmul.f32 v34, v8;
	v10 =	vadd.f32 v46, v10;
	v11 =	vadd.f32 v47, v11  }
0x75: {  	v56 =	vld [tilespmem:s22+$0x1E0];
	v24 =	vmul.f32 v45, v9;
	v12 =	vadd.f32 v49, v12;
	v13 =	vadd.f32 v51, v13  }
0x76: {  	v58 =	vld [tilespmem:s22+$0x1F0];
	v14 =	vadd.f32 v53, v14;
	v57 =	vmul.f32 v48, v9;
	v10 =	vadd.f32 v22, v10  }
0x77: {  	v15 =	vadd.f32 v55, v15;
	v59 =	vmul.f32 v50, v9;
	v11 =	vadd.f32 v24, v11  }
0x78: {  	v60 =	vmul.f32 v52, v9;
	v12 =	vadd.f32 v57, v12;
	[tilespmem:s24+$0x10080] =	vst v10;
	v10 =	vmul.f32 v39, v8  }
0x79: {  	v61 =	vmul.f32 v54, v9;
	v13 =	vadd.f32 v59, v13;
	[tilespmem:s24+$0x10090] =	vst v11;
	v11 =	vmul.f32 v41, v8  }
0x7a: {  	p0 =	sne.s32 s23, $0x3E00;
	v62 =	vmul.f32 v56, v9;
	v14 =	vadd.f32 v60, v14;
	[tilespmem:s24+$0x100A0] =	vst v12;
	v10 =	vadd.f32 v10, v16  }
.Ltmp1:
0x7b: {  	v63 =	vmul.f32 v58, v9;
	v15 =	vadd.f32 v61, v15;
	[tilespmem:s24+$0x100B0] =	vst v13;
	v11 =	vadd.f32 v11, v17;
	(pc) =	sbr.rel @p0 .LBB2_5-.Ltmp1, $4  }
0x7c: {  	[tilespmem:s24+$0x100C0] =	vst v14;
	v10 =	vadd.f32 v62, v10  }
0x7d: {  	[tilespmem:s24+$0x100D0] =	vst v15;
	v11 =	vadd.f32 v63, v11  }
0x7e: {  	[tilespmem:s24+$0x100E0] =	vst v10  }
0x7f: {  	s23 =	sadd.s32 $0x200, s23;
	s22 =	sadd.s32 $0x400, s22;
	[tilespmem:s24+$0x100F0] =	vst v11  }
0x80: {  	p0 =	seq.s32 s20, $0x2  }
0x81: {  	s21 =	sadd.s32 @!p0 s21, s7;
	s22 =	simm.s32 @!p0 $0x0  }
0x82: {  	v2 =	vbroadcast v1, $0x8;
	v3 =	vbroadcast v1, $0x9;
	[tilespmem:s22], [sflag:$0x1] =	stream.linear.gather @!p0 [hbm4b:s21+s22], $0x8000, $0x38;
	[tilespmem:$0x11080] =	vst v63  }
0x83: {  	v4 =	vbroadcast v1, $0xA;
	v5 =	vbroadcast v1, $0xB;
	_ =	swait.ge [sflag:s14], $0x8000  }
0x84: {  	v6 =	vbroadcast v1, $0xC;
	v7 =	vbroadcast v1, $0xD;
	[sflag:s14] =	ssyncset.done $0x0  }
0x85: {  	v8 =	vbroadcast v1, $0xE;
	v1 =	vbroadcast v1, $0xF;
	s21 =	simm.s32 $0x0;
	s22 =	simm.s32 $0x8200;
	[sflag:s14] =	ssyncadd.s32 $0xFFFF8000  }
.LBB2_7:
0x86: {  	v17 =	vld [tilespmem:s22+$0xFFFFFE00]  }
0x87: {  	v18 =	vld [tilespmem:s22+$0xFFFFFE10]  }
0x88: {  	v19 =	vld [tilespmem:s22+$0xFFFFFE20]  }
0x89: {  	v20 =	vld [tilespmem:s22+$0xFFFFFE30]  }
0x8a: {  	v21 =	vld [tilespmem:s22+$0xFFFFFE40]  }
0x8b: {  	v22 =	vld [tilespmem:s22+$0xFFFFFE50]  }
0x8c: {  	v23 =	vld [tilespmem:s22+$0xFFFFFE60]  }
0x8d: {  	v24 =	vld [tilespmem:s22+$0xFFFFFE70]  }
0x8e: {  	v25 =	vld [tilespmem:s22+$0xFFFFFE80]  }
0x8f: {  	v26 =	vld [tilespmem:s22+$0xFFFFFE90]  }
0x90: {  	v27 =	vld [tilespmem:s22+$0xFFFFFEA0]  }
0x91: {  	v28 =	vld [tilespmem:s22+$0xFFFFFEB0]  }
0x92: {  	v29 =	vld [tilespmem:s22+$0xFFFFFEC0]  }
0x93: {  	v30 =	vld [tilespmem:s22+$0xFFFFFED0]  }
0x94: {  	v31 =	vld [tilespmem:s22+$0xFFFFFEE0]  }
0x95: {  	v32 =	vld [tilespmem:s22+$0xFFFFFEF0]  }
0x96: {  	v33 =	vld [tilespmem:s22+$0xFFFFFF00]  }
0x97: {  	v34 =	vld [tilespmem:s22+$0xFFFFFF10]  }
0x98: {  	v35 =	vld [tilespmem:s22+$0xFFFFFF20]  }
0x99: {  	v36 =	vld [tilespmem:s22+$0xFFFFFF30]  }
0x9a: {  	v37 =	vld [tilespmem:s22+$0xFFFFFF40]  }
0x9b: {  	v38 =	vld [tilespmem:s22+$0xFFFFFF50]  }
0x9c: {  	v39 =	vld [tilespmem:s22+$0xFFFFFF60]  }
0x9d: {  	v40 =	vld [tilespmem:s22+$0xFFFFFF70]  }
0x9e: {  	v41 =	vld [tilespmem:s22+$0xFFFFFF80]  }
0x9f: {  	v42 =	vld [tilespmem:s22+$0xFFFFFF90]  }
0xa0: {  	v43 =	vld [tilespmem:s22+$0xFFFFFFA0]  }
0xa1: {  	v44 =	vld [tilespmem:s22+$0xFFFFFFB0]  }
0xa2: {  	s23 =	sshra.s32 s21, $0x2;
	v59 =	vld [tilespmem:s22+$0x60]  }
0xa3: {  	v9 =	vld [tilespmem:s23+$0x10080]  }
0xa4: {  	v10 =	vld [tilespmem:s23+$0x10090]  }
0xa5: {  	v11 =	vld [tilespmem:s23+$0x100A0]  }
0xa6: {  	v12 =	vld [tilespmem:s23+$0x100B0];
	v17 =	vmul.f32 v17, v2;
	v18 =	vmul.f32 v18, v2  }
0xa7: {  	v13 =	vld [tilespmem:s23+$0x100C0];
	v19 =	vmul.f32 v19, v2;
	v61 =	vmul.f32 v20, v2  }
0xa8: {  	v14 =	vld [tilespmem:s23+$0x100D0];
	v62 =	vmul.f32 v21, v2;
	v63 =	vmul.f32 v22, v2  }
0xa9: {  	v15 =	vld [tilespmem:s23+$0x100E0];
	v45 =	vmul.f32 v23, v2;
	v46 =	vmul.f32 v24, v2  }
0xaa: {  	v16 =	vld [tilespmem:s23+$0x100F0];
	v47 =	vmul.f32 v25, v3;
	v48 =	vmul.f32 v26, v3  }
0xab: {  	v21 =	vld [tilespmem:s22+$0xFFFFFFD0];
	v49 =	vmul.f32 v27, v3;
	v50 =	vmul.f32 v28, v3  }
0xac: {  	v23 =	vld [tilespmem:s22+$0xFFFFFFE0];
	v51 =	vmul.f32 v29, v3;
	v52 =	vmul.f32 v30, v3  }
0xad: {  	v20 =	vld [tilespmem:s22+$0xFFFFFFF0];
	v53 =	vmul.f32 v31, v3;
	v54 =	vmul.f32 v32, v3  }
0xae: {  	v22 =	vld [tilespmem:s22+$0x0];
	v55 =	vmul.f32 v33, v4;
	v56 =	vmul.f32 v34, v4  }
0xaf: {  	v25 =	vld [tilespmem:s22+$0x10];
	v57 =	vmul.f32 v35, v4;
	v58 =	vmul.f32 v36, v4;
	v9 =	vadd.f32 v17, v9  }
0xb0: {  	v27 =	vld [tilespmem:s22+$0x20];
	v60 =	vmul.f32 v37, v4;
	v10 =	vadd.f32 v18, v10;
	v11 =	vadd.f32 v19, v11  }
0xb1: {  	v24 =	vld [tilespmem:s22+$0x30];
	v36 =	vmul.f32 v40, v4;
	v12 =	vadd.f32 v61, v12;
	v13 =	vadd.f32 v62, v13  }
0xb2: {  	v26 =	vld [tilespmem:s22+$0x40];
	v59 =	vmul.f32 v59, v6;
	v14 =	vadd.f32 v63, v14;
	v15 =	vadd.f32 v45, v15  }
0xb3: {  	v29 =	vld [tilespmem:s22+$0x50];
	v16 =	vadd.f32 v46, v16;
	v62 =	vmul.f32 v38, v4;
	v63 =	vmul.f32 v39, v4  }
0xb4: {  	v30 =	vld [tilespmem:s22+$0x80];
	v38 =	vmul.f32 v41, v5;
	v39 =	vmul.f32 v42, v5;
	v9 =	vadd.f32 v47, v9  }
0xb5: {  	v37 =	vld [tilespmem:s22+$0x90];
	v41 =	vmul.f32 v43, v5;
	v10 =	vadd.f32 v48, v10;
	v11 =	vadd.f32 v49, v11  }
0xb6: {  	v40 =	vld [tilespmem:s22+$0xA0];
	v43 =	vmul.f32 v44, v5;
	v12 =	vadd.f32 v50, v12;
	v13 =	vadd.f32 v51, v13  }
0xb7: {  	v18 =	vld [tilespmem:s22+$0xFFFFFFC0];
	v14 =	vadd.f32 v52, v14;
	v15 =	vadd.f32 v53, v15;
	v45 =	vmul.f32 v21, v5  }
0xb8: {  	v61 =	vld [tilespmem:s22+$0x70];
	v16 =	vadd.f32 v54, v16;
	v47 =	vmul.f32 v23, v5;
	v20 =	vmul.f32 v20, v5  }
0xb9: {  	v42 =	vld [tilespmem:s22+$0xB0];
	v49 =	vmul.f32 v22, v6;
	v51 =	vmul.f32 v25, v6;
	v9 =	vadd.f32 v55, v9  }
0xba: {  	v44 =	vld [tilespmem:s22+$0xC0];
	v53 =	vmul.f32 v27, v6;
	v10 =	vadd.f32 v56, v10;
	v11 =	vadd.f32 v57, v11  }
0xbb: {  	v46 =	vld [tilespmem:s22+$0xD0];
	v54 =	vmul.f32 v24, v6;
	v12 =	vadd.f32 v58, v12;
	v13 =	vadd.f32 v60, v13  }
0xbc: {  	v48 =	vld [tilespmem:s22+$0xE0];
	v14 =	vadd.f32 v62, v14;
	v15 =	vadd.f32 v63, v15;
	v56 =	vmul.f32 v26, v6  }
0xbd: {  	v50 =	vld [tilespmem:s22+$0xF0];
	v16 =	vadd.f32 v36, v16;
	v57 =	vmul.f32 v29, v6;
	v63 =	vmul.f32 v30, v7  }
0xbe: {  	v52 =	vld [tilespmem:s22+$0x100];
	v36 =	vmul.f32 v37, v7;
	v9 =	vadd.f32 v38, v9;
	v10 =	vadd.f32 v39, v10  }
0xbf: {  	v55 =	vld [tilespmem:s22+$0x110];
	v18 =	vmul.f32 v18, v5;
	v11 =	vadd.f32 v41, v11;
	v12 =	vadd.f32 v43, v12  }
0xc0: {  	v58 =	vld [tilespmem:s22+$0x120];
	v61 =	vmul.f32 v61, v6;
	v14 =	vadd.f32 v45, v14;
	v15 =	vadd.f32 v47, v15  }
0xc1: {  	v60 =	vld [tilespmem:s22+$0x130];
	v16 =	vadd.f32 v20, v16;
	v38 =	vmul.f32 v40, v7;
	v39 =	vmul.f32 v42, v7  }
0xc2: {  	v62 =	vld [tilespmem:s22+$0x140];
	v41 =	vmul.f32 v44, v7;
	v43 =	vmul.f32 v46, v7;
	v13 =	vadd.f32 v18, v13  }
0xc3: {  	v37 =	vld [tilespmem:s22+$0x150];
	v45 =	vmul.f32 v48, v7;
	v9 =	vadd.f32 v49, v9;
	v10 =	vadd.f32 v51, v10  }
0xc4: {  	v40 =	vld [tilespmem:s22+$0x160];
	v19 =	vmul.f32 v50, v7;
	v11 =	vadd.f32 v53, v11;
	v12 =	vadd.f32 v54, v12  }
0xc5: {  	v42 =	vld [tilespmem:s22+$0x170];
	v47 =	vmul.f32 v52, v8;
	v14 =	vadd.f32 v57, v14;
	v15 =	vadd.f32 v59, v15  }
0xc6: {  	v44 =	vld [tilespmem:s22+$0x180];
	v16 =	vadd.f32 v61, v16;
	v13 =	vadd.f32 v56, v13;
	v48 =	vmul.f32 v55, v8  }
0xc7: {  	v46 =	vld [tilespmem:s22+$0x190];
	v50 =	vmul.f32 v58, v8;
	v9 =	vadd.f32 v63, v9;
	v10 =	vadd.f32 v36, v10  }
0xc8: {  	v49 =	vld [tilespmem:s22+$0x1A0];
	v52 =	vmul.f32 v60, v8;
	v11 =	vadd.f32 v38, v11;
	v12 =	vadd.f32 v39, v12  }
0xc9: {  	v51 =	vld [tilespmem:s22+$0x1B0];
	v54 =	vmul.f32 v62, v8;
	v14 =	vadd.f32 v43, v14;
	v15 =	vadd.f32 v45, v15  }
0xca: {  	v53 =	vld [tilespmem:s22+$0x1C0];
	v56 =	vmul.f32 v37, v8;
	v16 =	vadd.f32 v19, v16;
	v13 =	vadd.f32 v41, v13  }
0xcb: {  	v55 =	vld [tilespmem:s22+$0x1D0];
	v21 =	vmul.f32 v44, v1;
	v9 =	vadd.f32 v47, v9;
	v10 =	vadd.f32 v48, v10  }
0xcc: {  	v57 =	vld [tilespmem:s22+$0x1E0];
	v23 =	vmul.f32 v46, v1;
	v11 =	vadd.f32 v50, v11;
	v12 =	vadd.f32 v52, v12  }
0xcd: {  	v59 =	vld [tilespmem:s22+$0x1F0];
	v14 =	vadd.f32 v56, v14;
	v58 =	vmul.f32 v49, v1;
	v9 =	vadd.f32 v21, v9  }
0xce: {  	v13 =	vadd.f32 v54, v13;
	v60 =	vmul.f32 v51, v1;
	v10 =	vadd.f32 v23, v10  }
0xcf: {  	v61 =	vmul.f32 v53, v1;
	v11 =	vadd.f32 v58, v11;
	[tilespmem:s23+$0x10080] =	vst v9;
	v9 =	vmul.f32 v40, v8  }
0xd0: {  	v62 =	vmul.f32 v55, v1;
	v12 =	vadd.f32 v60, v12;
	[tilespmem:s23+$0x10090] =	vst v10;
	v10 =	vmul.f32 v42, v8  }
0xd1: {  	p0 =	sne.s32 s21, $0x3E00;
	v13 =	vadd.f32 v61, v13;
	[tilespmem:s23+$0x100A0] =	vst v11;
	v11 =	vmul.f32 v57, v1;
	v9 =	vadd.f32 v9, v15  }
.Ltmp2:
0xd2: {  	v63 =	vmul.f32 v59, v1;
	v14 =	vadd.f32 v62, v14;
	[tilespmem:s23+$0x100B0] =	vst v12;
	v10 =	vadd.f32 v10, v16;
	(pc) =	sbr.rel @p0 .LBB2_7-.Ltmp2, $4  }
0xd3: {  	[tilespmem:s23+$0x100C0] =	vst v13;
	v9 =	vadd.f32 v11, v9  }
0xd4: {  	[tilespmem:s23+$0x100D0] =	vst v14;
	v10 =	vadd.f32 v63, v10  }
0xd5: {  	[tilespmem:s23+$0x100E0] =	vst v9  }
0xd6: {  	s21 =	sadd.s32 $0x200, s21;
	s22 =	sadd.s32 $0x400, s22;
	[tilespmem:s23+$0x100F0] =	vst v10  }
0xd7: {  	s20 =	sadd.s32 $0x1, s20  }
0xd8: {  	p0 =	sne.s32 s20, $0x3  }
.Ltmp3:
0xd9: {  	_ = 	snop;
	(pc) =	sbr.rel @p0 .LBB2_4-.Ltmp3, $1  }
0xda: {  	_ =	sdelay $0x3  }
0xdb: {  	s18 =	sadd.s32 $0x1, s18  }
0xdc: {  	p0 =	sne.s32 s18, s9  }
.Ltmp4:
0xdd: {  	_ = 	snop;
	(pc) =	sbr.rel @p0 .LBB2_1-.Ltmp4, $4  }
0xde: {  	[hbm4b:s8+s15] =	stream.strided.scatter [tilespmem:s17], [sflag:$0x3], $0x1000, s16, s15, $0x38;
	[tilespmem:$0x11080] =	vst v63  }
0xdf: {  	_ =	swait.ge [sflag:s11], $0x1000  }
0xe0: {  	[sflag:s11] =	ssyncset.done $0x0  }
0xe1: {  	[sflag:s11] =	ssyncadd.s32 $0xFFFFF000  }
0xe2: {  	_ =	sfence.sel $0x180000  }
0xe3: {  	[bflag:$0x0] =	sbarrier.arrive $0xFFFF  }
0xe4: {  	p0 =	sne.s32 s0, $0x0;
	_ =	strace $0x90000047  }
0xe5: {  	s0 =	sadd.s32 @!p0 $0x100000, s1;
	[bflag:$0x2] =	sbarrier.arrive $0xFFFF  }
0xe6: {  	[sflag:s0] =	ssyncadd.tile.s32 @!p0 $0x1;
	_ =	shalt  }
.Lfunc_end2:
_tile_overlayer_lowered:
.L_overlay_start_2:
0xe7: {  	(tag) =	ssettag $0x2  }
0xe8: {  	s0 =	rddreg [dreg:$0x0];
	s2 =	stileid.u32  }
0xe9: {  	s1 =	rddreg [dreg:$0x1];
	p0 =	sne.s32 s2, $0x0  }
0xea: {  	s3 =	rddreg [dreg:$0x2];
	[bflag:$0x3] =	sbarrier.arrive $0xFFFF;
	s2 =	simm.s32 @!p0 $0x1C03  }
0xeb: {  	[timem:s3], [sflag:s2] =	dma.local @!p0 [hbm:s0], s1  }
0xec: {  	s0 =	simm.s32 @!p0 $0x3  }
0xed: {  	_ =	swait.ge @!p0 [sflag:s0], s1  }
0xee: {  	s1 =	ssub.s32 @!p0 $0x0, s1;
	[sflag:s0] =	ssyncset.done @!p0 $0x0  }
0xef: {  	[sflag:s0] =	ssyncadd.s32 @!p0 s1  }
0xf0: {  	[bflag:$0x3] =	sbarrier.arrive $0xFFFF  }
0xf1: {  	_ =	shalt  }

</sc_bundles>
